<compile_context>
chip_gen: v7x
topology: tpu7x:2x2x1
jax: 0.10.2.dev20260603
libtpu: 0.0.44.dev20260713+nightly
codegen_flags: <defaults>
</compile_context>

<pallas_src>
import jax
import jax.numpy as jnp
from jax import lax
from jax.experimental import pallas as pl
from jax.experimental.pallas import tpu as pltpu
from jax.experimental.pallas import tpu_sc as plsc

B = 64
NC = 2
NS = 16
CPS = B // NS
NPAIR = CPS // 2
CHUNKI = 2048
LANES = 16
GUNROLL = 4
XSHIFT = 14


def _sc_body(x_hbm, idxp_hbm, vals_hbm, out_hbm,
             a0, a1, acc0, acc1, acc2, acc3,
             bi0, bv0, bi1, bv1, t0, t1, sem0, sem1):
  n = a0.shape[0]
  n_chunks = idxp_hbm.shape[0]
  seg = t0.shape[0]
  cid = lax.axis_index("c")
  sid = lax.axis_index("s")

  accs = [acc0, acc1, acc2, acc3]
  pairs = [a0, a1]
  bufs = [(bi0, bv0, sem0), (bi1, bv1, sem1)]

  for k in range(NPAIR):
    r0 = sid * CPS + 2 * k
    for j in range(n // seg):
      pltpu.sync_copy(x_hbm.at[r0].at[pl.ds(j * seg, seg)], t0)
      pltpu.sync_copy(x_hbm.at[r0 + 1].at[pl.ds(j * seg, seg)], t1)

      @plsc.parallel_loop(0, seg // LANES, unroll=4)
      def _pack(g):
        sl = pl.ds(g * LANES, LANES)
        pw = plsc.bitcast(
            plsc.pack(t0[sl], t1[sl], format=plsc.PackFormat.INTERLEAVED),
            jnp.float32,
        )
        pairs[k][pl.ds(j * seg + g * LANES, LANES)] = pw

  zero16 = jnp.zeros((LANES,), jnp.float32)

  @plsc.parallel_loop(0, n // LANES)
  def _zero(i):
    for acc in accs:
      acc[pl.ds(i * LANES, LANES)] = zero16

  def issue(chunk, b):
    bi, bv, sem = bufs[b]
    pltpu.async_copy(idxp_hbm.at[chunk].at[cid], bi, sem)
    pltpu.async_copy(vals_hbm.at[chunk].at[cid], bv, sem)

  def wait(chunk, b):
    bi, bv, sem = bufs[b]
    pltpu.make_async_copy(idxp_hbm.at[chunk].at[cid], bi, sem).wait()
    pltpu.make_async_copy(vals_hbm.at[chunk].at[cid], bv, sem).wait()

  issue(0, 0)
  issue(1, 1)

  himask = jnp.full((LANES,), -65536, jnp.int32)
  xmask = jnp.full((LANES,), (1 << XSHIFT) - 1, jnp.int32)

  @pl.loop(0, n_chunks, step=2)
  def _main(h):
    for b in range(2):
      cc = h + b
      bi, bv, _ = bufs[b]
      wait(cc, b)

      @plsc.parallel_loop(0, CHUNKI // LANES, unroll=GUNROLL)
      def _group(g):
        sl = pl.ds(g * LANES, LANES)
        vp = bi[sl]
        vv = bv[sl]
        vx = vp & xmask
        vy = lax.shift_right_logical(vp, XSHIFT)
        for k in range(NPAIR):
          gp = plsc.load_gather(pairs[k], [vx])
          gi = plsc.bitcast(gp, jnp.int32)
          xe = plsc.bitcast(gi << 16, jnp.float32)
          xo = plsc.bitcast(gi & himask, jnp.float32)
          plsc.addupdate_scatter(accs[2 * k], [vy], xe * vv)
          plsc.addupdate_scatter(accs[2 * k + 1], [vy], xo * vv)

      @pl.when(cc + 2 < n_chunks)
      def _refill():
        issue(cc + 2, b)

  for k in range(CPS):
    pltpu.sync_copy(accs[k], out_hbm.at[cid].at[sid * CPS + k])


def _make_sc_spmm(n, n_chunks):
  mesh = plsc.VectorSubcoreMesh(core_axis_name="c", subcore_axis_name="s")
  return pl.kernel(
      _sc_body,
      out_type=jax.ShapeDtypeStruct((NC, B, n), jnp.float32),
      mesh=mesh,
      scratch_types=[pltpu.VMEM((n,), jnp.float32) for _ in range(2 + CPS)]
      + [
          pltpu.VMEM((CHUNKI,), jnp.int32),
          pltpu.VMEM((CHUNKI,), jnp.float32),
          pltpu.VMEM((CHUNKI,), jnp.int32),
          pltpu.VMEM((CHUNKI,), jnp.float32),
          pltpu.VMEM((4096,), jnp.float32),
          pltpu.VMEM((4096,), jnp.float32),
          pltpu.SemaphoreType.DMA,
          pltpu.SemaphoreType.DMA,
      ],
      compiler_params=pltpu.CompilerParams(
          use_tc_tiling_on_sc=True, needs_layout_passes=False
      ),
  )


def _combine_out(parts):
  n = parts.shape[-1]
  blk = 2048

  def body(p_ref, o_ref):
    o_ref[...] = p_ref[0] + p_ref[1]

  return pl.pallas_call(
      body,
      grid=(n // blk,),
      in_specs=[pl.BlockSpec((NC, B, blk), lambda j: (0, 0, j))],
      out_specs=pl.BlockSpec((B, blk), lambda j: (0, j)),
      out_shape=jax.ShapeDtypeStruct((B, n), jnp.float32),
  )(parts)


@jax.jit
def kernel(x, vals, idx_xs, idx_ys):
  n = x.shape[1]
  nnz = vals.shape[0]
  per_round = NC * CHUNKI
  n_chunks = -(-nnz // per_round)
  if n_chunks % 2:
    n_chunks += 1
  items = n_chunks * per_round
  pad = items - nnz

  idxp = (idx_ys << XSHIFT) | idx_xs
  idxp = jnp.concatenate([idxp, jnp.zeros((pad,), jnp.int32)])
  v = jnp.concatenate([vals, jnp.zeros((pad,), jnp.float32)])
  idxp = idxp.reshape(n_chunks, NC, CHUNKI)
  v = v.reshape(n_chunks, NC, CHUNKI)

  parts = _make_sc_spmm(n, n_chunks)(x, idxp, v)
  return _combine_out(parts)

# --- scband reference (transcript-rebuilt; emitter-appended) ---
"""Pipeline reference for scband-sparse-module-6957847019817 (READ-ONLY COPY).

The authoritative reference and input builder live on the scoring server;
editing this copy changes nothing except your own understanding.
"""

import jax, jax.numpy as jnp
import numpy as np

N_ITEMS = 268435
IN_SIZE = 16384
OUT_SIZE = 16384
BATCH = 64

def setup_inputs(seed: int = 0) -> dict:
    key = jax.random.key(seed)
    k1, k2, k3, k4 = jax.random.split(key, 4)
    x = jax.random.normal(k1, (BATCH, IN_SIZE), dtype=jnp.float32)
    idx_xs = jax.random.randint(k2, (N_ITEMS,), 0, IN_SIZE, dtype=jnp.int32)
    idx_ys = jax.random.randint(k3, (N_ITEMS,), 0, OUT_SIZE, dtype=jnp.int32)
    vals = jax.random.normal(k4, (N_ITEMS,), dtype=jnp.float32)
    return {"x": x, "vals": vals, "idx_xs": idx_xs, "idx_ys": idx_ys}

def reference(x, vals, idx_xs, idx_ys):
    # torch: y = (W_sparse @ x^T)^T  with W[idx_ys[i], idx_xs[i]] += vals[i]
    # => y[b, o] = sum_i vals[i] * x[b, idx_xs[i]] for idx_ys[i] == o
    gathered = jnp.take(x, idx_xs, axis=1) * vals[None, :]          # gather: [B, nnz]
    out = jnp.zeros((x.shape[0], OUT_SIZE), dtype=x.dtype)
    out = out.at[:, idx_ys].add(gathered)                            # scatter-add over output rows
    return out

if __name__ == "__main__":
    import jax
    _d = setup_inputs()
    print(jax.jit(kernel)(*tuple(_d.values())))

</pallas_src>

<mosaic_0001>
#map = affine_map<(d0, d1) -> (0, 0)>
#map1 = affine_map<(d0, d1) -> (0, 0, 0)>
module attributes {stable_mosaic.version = 14 : i64} {
  func.func @_sc_body(%arg0: i32, %arg1: i32, %arg2: memref<64x16384xf32, #tpu.memory_space<hbm>>, %arg3: memref<66x2x2048xi32, #tpu.memory_space<hbm>>, %arg4: memref<66x2x2048xf32, #tpu.memory_space<hbm>>, %arg5: memref<2x64x16384xf32, #tpu.memory_space<hbm>>, %arg6: memref<16384xf32, #tpu.memory_space<vmem>>, %arg7: memref<16384xf32, #tpu.memory_space<vmem>>, %arg8: memref<16384xf32, #tpu.memory_space<vmem>>, %arg9: memref<16384xf32, #tpu.memory_space<vmem>>, %arg10: memref<16384xf32, #tpu.memory_space<vmem>>, %arg11: memref<16384xf32, #tpu.memory_space<vmem>>, %arg12: memref<2048xi32, #tpu.memory_space<vmem>>, %arg13: memref<2048xf32, #tpu.memory_space<vmem>>, %arg14: memref<2048xi32, #tpu.memory_space<vmem>>, %arg15: memref<2048xf32, #tpu.memory_space<vmem>>, %arg16: memref<4096xf32, #tpu.memory_space<vmem>>, %arg17: memref<4096xf32, #tpu.memory_space<vmem>>, %arg18: memref<!tpu.dma_semaphore, #tpu.memory_space<semaphore_mem>>, %arg19: memref<!tpu.dma_semaphore, #tpu.memory_space<semaphore_mem>>) attributes {dimension_semantics = [#tpu.dimension_semantics<core_parallel>, #tpu.dimension_semantics<subcore_parallel>], iteration_bounds = array<i64: 2, 16>, scalar_prefetch = 0 : i64, scratch_operands = 14 : i64, tpu.core_type = #tpu.core_type<sc_vector_subcore>, window_params = [{transform_indices = #map}, {transform_indices = #map1}, {transform_indices = #map1}, {transform_indices = #map1}]} {
    %mul3A = arith.constant 4 : i32
    %mul3A_0 = arith.muli %arg1, %mul3A : i32
    %add3A = arith.constant 0 : i32
    %add3A_1 = arith.addi %mul3A_0, %add3A : i32
    "tpu.region"() ({
      %run_scoped3A = tpu.sem_alloc : memref<!tpu.dma_semaphore, #tpu.memory_space<semaphore_mem>>
      %dma_start3A_132 = arith.constant 0 : i32
      %dma_start3A_133 = tpu.memref_slice %arg2[%add3A_1, %dma_start3A_132] : memref<64x16384xf32, #tpu.memory_space<hbm>> -> memref<1x16384xf32, #tpu.memory_space<hbm>>
      %dma_start3A_134 = tpu.memref_squeeze %dma_start3A_133 : memref<1x16384xf32, #tpu.memory_space<hbm>> -> memref<16384xf32, #tpu.memory_space<hbm>>
      %dma_start3A_135 = arith.constant 0 : i32
      %dma_start3A_136 = tpu.memref_slice %dma_start3A_134[%dma_start3A_135] : memref<16384xf32, #tpu.memory_space<hbm>> -> memref<4096xf32, #tpu.memory_space<hbm>>
      %dma_start3A_137 = arith.constant 0 : i32
      %dma_start3A_138 = tpu.memref_slice %arg2[%add3A_1, %dma_start3A_137] : memref<64x16384xf32, #tpu.memory_space<hbm>> -> memref<1x16384xf32, #tpu.memory_space<hbm>>
      %dma_start3A_139 = tpu.memref_squeeze %dma_start3A_138 : memref<1x16384xf32, #tpu.memory_space<hbm>> -> memref<16384xf32, #tpu.memory_space<hbm>>
      %dma_start3A_140 = arith.constant 0 : i32
      %dma_start3A_141 = tpu.memref_slice %dma_start3A_139[%dma_start3A_140] : memref<16384xf32, #tpu.memory_space<hbm>> -> memref<4096xf32, #tpu.memory_space<hbm>>
      tpu.enqueue_dma source(%dma_start3A_141 : memref<4096xf32, #tpu.memory_space<hbm>>) target(%arg16 : memref<4096xf32, #tpu.memory_space<vmem>>) target_semaphore(%run_scoped3A : memref<!tpu.dma_semaphore, #tpu.memory_space<semaphore_mem>>)
      %dma_wait3A = arith.constant 0 : i32
      %dma_wait3A_142 = tpu.memref_slice %arg2[%add3A_1, %dma_wait3A] : memref<64x16384xf32, #tpu.memory_space<hbm>> -> memref<1x16384xf32, #tpu.memory_space<hbm>>
      %dma_wait3A_143 = tpu.memref_squeeze %dma_wait3A_142 : memref<1x16384xf32, #tpu.memory_space<hbm>> -> memref<16384xf32, #tpu.memory_space<hbm>>
      %dma_wait3A_144 = arith.constant 0 : i32
      %dma_wait3A_145 = tpu.memref_slice %dma_wait3A_143[%dma_wait3A_144] : memref<16384xf32, #tpu.memory_space<hbm>> -> memref<4096xf32, #tpu.memory_space<hbm>>
      %dma_wait3A_146 = arith.constant 0 : i32
      %dma_wait3A_147 = tpu.memref_slice %arg2[%add3A_1, %dma_wait3A_146] : memref<64x16384xf32, #tpu.memory_space<hbm>> -> memref<1x16384xf32, #tpu.memory_space<hbm>>
      %dma_wait3A_148 = tpu.memref_squeeze %dma_wait3A_147 : memref<1x16384xf32, #tpu.memory_space<hbm>> -> memref<16384xf32, #tpu.memory_space<hbm>>
      %dma_wait3A_149 = arith.constant 0 : i32
      %dma_wait3A_150 = tpu.memref_slice %dma_wait3A_148[%dma_wait3A_149] : memref<16384xf32, #tpu.memory_space<hbm>> -> memref<4096xf32, #tpu.memory_space<hbm>>
      tpu.wait_dma2 semaphore(%run_scoped3A : memref<!tpu.dma_semaphore, #tpu.memory_space<semaphore_mem>>) src(%dma_wait3A_150 : memref<4096xf32, #tpu.memory_space<hbm>>) dst(%arg16 : memref<4096xf32, #tpu.memory_space<vmem>>)
      tpu.yield
    }) : () -> ()
    %add3A_2 = arith.constant 1 : i32
    %add3A_3 = arith.addi %add3A_1, %add3A_2 : i32
    "tpu.region"() ({
      %run_scoped3A = tpu.sem_alloc : memref<!tpu.dma_semaphore, #tpu.memory_space<semaphore_mem>>
      %dma_start3A_132 = arith.constant 0 : i32
      %dma_start3A_133 = tpu.memref_slice %arg2[%add3A_3, %dma_start3A_132] : memref<64x16384xf32, #tpu.memory_space<hbm>> -> memref<1x16384xf32, #tpu.memory_space<hbm>>
      %dma_start3A_134 = tpu.memref_squeeze %dma_start3A_133 : memref<1x16384xf32, #tpu.memory_space<hbm>> -> memref<16384xf32, #tpu.memory_space<hbm>>
      %dma_start3A_135 = arith.constant 0 : i32
      %dma_start3A_136 = tpu.memref_slice %dma_start3A_134[%dma_start3A_135] : memref<16384xf32, #tpu.memory_space<hbm>> -> memref<4096xf32, #tpu.memory_space<hbm>>
      %dma_start3A_137 = arith.constant 0 : i32
      %dma_start3A_138 = tpu.memref_slice %arg2[%add3A_3, %dma_start3A_137] : memref<64x16384xf32, #tpu.memory_space<hbm>> -> memref<1x16384xf32, #tpu.memory_space<hbm>>
      %dma_start3A_139 = tpu.memref_squeeze %dma_start3A_138 : memref<1x16384xf32, #tpu.memory_space<hbm>> -> memref<16384xf32, #tpu.memory_space<hbm>>
      %dma_start3A_140 = arith.constant 0 : i32
      %dma_start3A_141 = tpu.memref_slice %dma_start3A_139[%dma_start3A_140] : memref<16384xf32, #tpu.memory_space<hbm>> -> memref<4096xf32, #tpu.memory_space<hbm>>
      tpu.enqueue_dma source(%dma_start3A_141 : memref<4096xf32, #tpu.memory_space<hbm>>) target(%arg17 : memref<4096xf32, #tpu.memory_space<vmem>>) target_semaphore(%run_scoped3A : memref<!tpu.dma_semaphore, #tpu.memory_space<semaphore_mem>>)
      %dma_wait3A = arith.constant 0 : i32
      %dma_wait3A_142 = tpu.memref_slice %arg2[%add3A_3, %dma_wait3A] : memref<64x16384xf32, #tpu.memory_space<hbm>> -> memref<1x16384xf32, #tpu.memory_space<hbm>>
      %dma_wait3A_143 = tpu.memref_squeeze %dma_wait3A_142 : memref<1x16384xf32, #tpu.memory_space<hbm>> -> memref<16384xf32, #tpu.memory_space<hbm>>
      %dma_wait3A_144 = arith.constant 0 : i32
      %dma_wait3A_145 = tpu.memref_slice %dma_wait3A_143[%dma_wait3A_144] : memref<16384xf32, #tpu.memory_space<hbm>> -> memref<4096xf32, #tpu.memory_space<hbm>>
      %dma_wait3A_146 = arith.constant 0 : i32
      %dma_wait3A_147 = tpu.memref_slice %arg2[%add3A_3, %dma_wait3A_146] : memref<64x16384xf32, #tpu.memory_space<hbm>> -> memref<1x16384xf32, #tpu.memory_space<hbm>>
      %dma_wait3A_148 = tpu.memref_squeeze %dma_wait3A_147 : memref<1x16384xf32, #tpu.memory_space<hbm>> -> memref<16384xf32, #tpu.memory_space<hbm>>
      %dma_wait3A_149 = arith.constant 0 : i32
      %dma_wait3A_150 = tpu.memref_slice %dma_wait3A_148[%dma_wait3A_149] : memref<16384xf32, #tpu.memory_space<hbm>> -> memref<4096xf32, #tpu.memory_space<hbm>>
      tpu.wait_dma2 semaphore(%run_scoped3A : memref<!tpu.dma_semaphore, #tpu.memory_space<semaphore_mem>>) src(%dma_wait3A_150 : memref<4096xf32, #tpu.memory_space<hbm>>) dst(%arg17 : memref<4096xf32, #tpu.memory_space<vmem>>)
      tpu.yield
    }) : () -> ()
    %parallel_loop3A = arith.constant 0 : i32
    %parallel_loop3A_4 = arith.constant 256 : i32
    %parallel_loop3A_5 = arith.constant 1 : i32
    scf.for %parallel_loop3A_132 = %parallel_loop3A to %parallel_loop3A_4 step %parallel_loop3A_5  : i32 {
      %parallel_loop3A_133 = arith.constant 16 : i32
      %parallel_loop3A_134 = arith.muli %parallel_loop3A_132, %parallel_loop3A_133 : i32
      %parallel_loop3A_135 = arith.index_cast %parallel_loop3A_134 : i32 to index
      %parallel_loop3A_136 = tpu.vector_load %arg16[%parallel_loop3A_135] {strides = array<i32>} : memref<4096xf32, #tpu.memory_space<vmem>>, vector<16xf32>,
      %parallel_loop3A_137 = arith.index_cast %parallel_loop3A_134 : i32 to index
      %parallel_loop3A_138 = tpu.vector_load %arg17[%parallel_loop3A_137] {strides = array<i32>} : memref<4096xf32, #tpu.memory_space<vmem>>, vector<16xf32>,
      %parallel_loop3A_139 = tpu.pack_subelements %parallel_loop3A_136, %parallel_loop3A_138 {pack_format = #tpu.pack_format<interleaved>, positions = array<i32: 0, 1>} : vector<16xf32>, vector<16xf32> -> vector<32xbf16>
      %parallel_loop3A_140 = vector.bitcast %parallel_loop3A_139 : vector<32xbf16> to vector<16xf32>
      %parallel_loop3A_141 = arith.constant 16 : i32
      %parallel_loop3A_142 = arith.muli %parallel_loop3A_132, %parallel_loop3A_141 : i32
      %parallel_loop3A_143 = arith.constant 0 : i32
      %parallel_loop3A_144 = arith.addi %parallel_loop3A_143, %parallel_loop3A_142 : i32
      %parallel_loop3A_145 = arith.index_cast %parallel_loop3A_144 : i32 to index
      %parallel_loop3A_146 = tpu.vector_load %arg6[%parallel_loop3A_145] {strides = array<i32>} : memref<16384xf32, #tpu.memory_space<vmem>>, vector<16xf32>,
      tpu.vector_store %arg6[%parallel_loop3A_145], %parallel_loop3A_140 {strides = array<i32>} : memref<16384xf32, #tpu.memory_space<vmem>>, vector<16xf32>,
    } {sc.loop_unroll_factor = 4 : i64, sc.parallel_access}
    "tpu.region"() ({
      %run_scoped3A = tpu.sem_alloc : memref<!tpu.dma_semaphore, #tpu.memory_space<semaphore_mem>>
      %dma_start3A_132 = arith.constant 0 : i32
      %dma_start3A_133 = tpu.memref_slice %arg2[%add3A_1, %dma_start3A_132] : memref<64x16384xf32, #tpu.memory_space<hbm>> -> memref<1x16384xf32, #tpu.memory_space<hbm>>
      %dma_start3A_134 = tpu.memref_squeeze %dma_start3A_133 : memref<1x16384xf32, #tpu.memory_space<hbm>> -> memref<16384xf32, #tpu.memory_space<hbm>>
      %dma_start3A_135 = arith.constant 4096 : i32
      %dma_start3A_136 = tpu.memref_slice %dma_start3A_134[%dma_start3A_135] : memref<16384xf32, #tpu.memory_space<hbm>> -> memref<4096xf32, #tpu.memory_space<hbm>>
      %dma_start3A_137 = arith.constant 0 : i32
      %dma_start3A_138 = tpu.memref_slice %arg2[%add3A_1, %dma_start3A_137] : memref<64x16384xf32, #tpu.memory_space<hbm>> -> memref<1x16384xf32, #tpu.memory_space<hbm>>
      %dma_start3A_139 = tpu.memref_squeeze %dma_start3A_138 : memref<1x16384xf32, #tpu.memory_space<hbm>> -> memref<16384xf32, #tpu.memory_space<hbm>>
      %dma_start3A_140 = arith.constant 4096 : i32
      %dma_start3A_141 = tpu.memref_slice %dma_start3A_139[%dma_start3A_140] : memref<16384xf32, #tpu.memory_space<hbm>> -> memref<4096xf32, #tpu.memory_space<hbm>>
      tpu.enqueue_dma source(%dma_start3A_141 : memref<4096xf32, #tpu.memory_space<hbm>>) target(%arg16 : memref<4096xf32, #tpu.memory_space<vmem>>) target_semaphore(%run_scoped3A : memref<!tpu.dma_semaphore, #tpu.memory_space<semaphore_mem>>)
      %dma_wait3A = arith.constant 0 : i32
      %dma_wait3A_142 = tpu.memref_slice %arg2[%add3A_1, %dma_wait3A] : memref<64x16384xf32, #tpu.memory_space<hbm>> -> memref<1x16384xf32, #tpu.memory_space<hbm>>
      %dma_wait3A_143 = tpu.memref_squeeze %dma_wait3A_142 : memref<1x16384xf32, #tpu.memory_space<hbm>> -> memref<16384xf32, #tpu.memory_space<hbm>>
      %dma_wait3A_144 = arith.constant 4096 : i32
      %dma_wait3A_145 = tpu.memref_slice %dma_wait3A_143[%dma_wait3A_144] : memref<16384xf32, #tpu.memory_space<hbm>> -> memref<4096xf32, #tpu.memory_space<hbm>>
      %dma_wait3A_146 = arith.constant 0 : i32
      %dma_wait3A_147 = tpu.memref_slice %arg2[%add3A_1, %dma_wait3A_146] : memref<64x16384xf32, #tpu.memory_space<hbm>> -> memref<1x16384xf32, #tpu.memory_space<hbm>>
      %dma_wait3A_148 = tpu.memref_squeeze %dma_wait3A_147 : memref<1x16384xf32, #tpu.memory_space<hbm>> -> memref<16384xf32, #tpu.memory_space<hbm>>
      %dma_wait3A_149 = arith.constant 4096 : i32
      %dma_wait3A_150 = tpu.memref_slice %dma_wait3A_148[%dma_wait3A_149] : memref<16384xf32, #tpu.memory_space<hbm>> -> memref<4096xf32, #tpu.memory_space<hbm>>
      tpu.wait_dma2 semaphore(%run_scoped3A : memref<!tpu.dma_semaphore, #tpu.memory_space<semaphore_mem>>) src(%dma_wait3A_150 : memref<4096xf32, #tpu.memory_space<hbm>>) dst(%arg16 : memref<4096xf32, #tpu.memory_space<vmem>>)
      tpu.yield
    }) : () -> ()
    %add3A_6 = arith.constant 1 : i32
    %add3A_7 = arith.addi %add3A_1, %add3A_6 : i32
    "tpu.region"() ({
      %run_scoped3A = tpu.sem_alloc : memref<!tpu.dma_semaphore, #tpu.memory_space<semaphore_mem>>
      %dma_start3A_132 = arith.constant 0 : i32
      %dma_start3A_133 = tpu.memref_slice %arg2[%add3A_7, %dma_start3A_132] : memref<64x16384xf32, #tpu.memory_space<hbm>> -> memref<1x16384xf32, #tpu.memory_space<hbm>>
      %dma_start3A_134 = tpu.memref_squeeze %dma_start3A_133 : memref<1x16384xf32, #tpu.memory_space<hbm>> -> memref<16384xf32, #tpu.memory_space<hbm>>
      %dma_start3A_135 = arith.constant 4096 : i32
      %dma_start3A_136 = tpu.memref_slice %dma_start3A_134[%dma_start3A_135] : memref<16384xf32, #tpu.memory_space<hbm>> -> memref<4096xf32, #tpu.memory_space<hbm>>
      %dma_start3A_137 = arith.constant 0 : i32
      %dma_start3A_138 = tpu.memref_slice %arg2[%add3A_7, %dma_start3A_137] : memref<64x16384xf32, #tpu.memory_space<hbm>> -> memref<1x16384xf32, #tpu.memory_space<hbm>>
      %dma_start3A_139 = tpu.memref_squeeze %dma_start3A_138 : memref<1x16384xf32, #tpu.memory_space<hbm>> -> memref<16384xf32, #tpu.memory_space<hbm>>
      %dma_start3A_140 = arith.constant 4096 : i32
      %dma_start3A_141 = tpu.memref_slice %dma_start3A_139[%dma_start3A_140] : memref<16384xf32, #tpu.memory_space<hbm>> -> memref<4096xf32, #tpu.memory_space<hbm>>
      tpu.enqueue_dma source(%dma_start3A_141 : memref<4096xf32, #tpu.memory_space<hbm>>) target(%arg17 : memref<4096xf32, #tpu.memory_space<vmem>>) target_semaphore(%run_scoped3A : memref<!tpu.dma_semaphore, #tpu.memory_space<semaphore_mem>>)
      %dma_wait3A = arith.constant 0 : i32
      %dma_wait3A_142 = tpu.memref_slice %arg2[%add3A_7, %dma_wait3A] : memref<64x16384xf32, #tpu.memory_space<hbm>> -> memref<1x16384xf32, #tpu.memory_space<hbm>>
      %dma_wait3A_143 = tpu.memref_squeeze %dma_wait3A_142 : memref<1x16384xf32, #tpu.memory_space<hbm>> -> memref<16384xf32, #tpu.memory_space<hbm>>
      %dma_wait3A_144 = arith.constant 4096 : i32
      %dma_wait3A_145 = tpu.memref_slice %dma_wait3A_143[%dma_wait3A_144] : memref<16384xf32, #tpu.memory_space<hbm>> -> memref<4096xf32, #tpu.memory_space<hbm>>
      %dma_wait3A_146 = arith.constant 0 : i32
      %dma_wait3A_147 = tpu.memref_slice %arg2[%add3A_7, %dma_wait3A_146] : memref<64x16384xf32, #tpu.memory_space<hbm>> -> memref<1x16384xf32, #tpu.memory_space<hbm>>
      %dma_wait3A_148 = tpu.memref_squeeze %dma_wait3A_147 : memref<1x16384xf32, #tpu.memory_space<hbm>> -> memref<16384xf32, #tpu.memory_space<hbm>>
      %dma_wait3A_149 = arith.constant 4096 : i32
      %dma_wait3A_150 = tpu.memref_slice %dma_wait3A_148[%dma_wait3A_149] : memref<16384xf32, #tpu.memory_space<hbm>> -> memref<4096xf32, #tpu.memory_space<hbm>>
      tpu.wait_dma2 semaphore(%run_scoped3A : memref<!tpu.dma_semaphore, #tpu.memory_space<semaphore_mem>>) src(%dma_wait3A_150 : memref<4096xf32, #tpu.memory_space<hbm>>) dst(%arg17 : memref<4096xf32, #tpu.memory_space<vmem>>)
      tpu.yield
    }) : () -> ()
    %parallel_loop3A_8 = arith.constant 0 : i32
    %parallel_loop3A_9 = arith.constant 256 : i32
    %parallel_loop3A_10 = arith.constant 1 : i32
    scf.for %parallel_loop3A_132 = %parallel_loop3A_8 to %parallel_loop3A_9 step %parallel_loop3A_10  : i32 {
      %parallel_loop3A_133 = arith.constant 16 : i32
      %parallel_loop3A_134 = arith.muli %parallel_loop3A_132, %parallel_loop3A_133 : i32
      %parallel_loop3A_135 = arith.index_cast %parallel_loop3A_134 : i32 to index
      %parallel_loop3A_136 = tpu.vector_load %arg16[%parallel_loop3A_135] {strides = array<i32>} : memref<4096xf32, #tpu.memory_space<vmem>>, vector<16xf32>,
      %parallel_loop3A_137 = arith.index_cast %parallel_loop3A_134 : i32 to index
      %parallel_loop3A_138 = tpu.vector_load %arg17[%parallel_loop3A_137] {strides = array<i32>} : memref<4096xf32, #tpu.memory_space<vmem>>, vector<16xf32>,
      %parallel_loop3A_139 = tpu.pack_subelements %parallel_loop3A_136, %parallel_loop3A_138 {pack_format = #tpu.pack_format<interleaved>, positions = array<i32: 0, 1>} : vector<16xf32>, vector<16xf32> -> vector<32xbf16>
      %parallel_loop3A_140 = vector.bitcast %parallel_loop3A_139 : vector<32xbf16> to vector<16xf32>
      %parallel_loop3A_141 = arith.constant 16 : i32
      %parallel_loop3A_142 = arith.muli %parallel_loop3A_132, %parallel_loop3A_141 : i32
      %parallel_loop3A_143 = arith.constant 4096 : i32
      %parallel_loop3A_144 = arith.addi %parallel_loop3A_143, %parallel_loop3A_142 : i32
      %parallel_loop3A_145 = arith.index_cast %parallel_loop3A_144 : i32 to index
      %parallel_loop3A_146 = tpu.vector_load %arg6[%parallel_loop3A_145] {strides = array<i32>} : memref<16384xf32, #tpu.memory_space<vmem>>, vector<16xf32>,
      tpu.vector_store %arg6[%parallel_loop3A_145], %parallel_loop3A_140 {strides = array<i32>} : memref<16384xf32, #tpu.memory_space<vmem>>, vector<16xf32>,
    } {sc.loop_unroll_factor = 4 : i64, sc.parallel_access}
    "tpu.region"() ({
      %run_scoped3A = tpu.sem_alloc : memref<!tpu.dma_semaphore, #tpu.memory_space<semaphore_mem>>
      %dma_start3A_132 = arith.constant 0 : i32
      %dma_start3A_133 = tpu.memref_slice %arg2[%add3A_1, %dma_start3A_132] : memref<64x16384xf32, #tpu.memory_space<hbm>> -> memref<1x16384xf32, #tpu.memory_space<hbm>>
      %dma_start3A_134 = tpu.memref_squeeze %dma_start3A_133 : memref<1x16384xf32, #tpu.memory_space<hbm>> -> memref<16384xf32, #tpu.memory_space<hbm>>
      %dma_start3A_135 = arith.constant 8192 : i32
      %dma_start3A_136 = tpu.memref_slice %dma_start3A_134[%dma_start3A_135] : memref<16384xf32, #tpu.memory_space<hbm>> -> memref<4096xf32, #tpu.memory_space<hbm>>
      %dma_start3A_137 = arith.constant 0 : i32
      %dma_start3A_138 = tpu.memref_slice %arg2[%add3A_1, %dma_start3A_137] : memref<64x16384xf32, #tpu.memory_space<hbm>> -> memref<1x16384xf32, #tpu.memory_space<hbm>>
      %dma_start3A_139 = tpu.memref_squeeze %dma_start3A_138 : memref<1x16384xf32, #tpu.memory_space<hbm>> -> memref<16384xf32, #tpu.memory_space<hbm>>
      %dma_start3A_140 = arith.constant 8192 : i32
      %dma_start3A_141 = tpu.memref_slice %dma_start3A_139[%dma_start3A_140] : memref<16384xf32, #tpu.memory_space<hbm>> -> memref<4096xf32, #tpu.memory_space<hbm>>
      tpu.enqueue_dma source(%dma_start3A_141 : memref<4096xf32, #tpu.memory_space<hbm>>) target(%arg16 : memref<4096xf32, #tpu.memory_space<vmem>>) target_semaphore(%run_scoped3A : memref<!tpu.dma_semaphore, #tpu.memory_space<semaphore_mem>>)
      %dma_wait3A = arith.constant 0 : i32
      %dma_wait3A_142 = tpu.memref_slice %arg2[%add3A_1, %dma_wait3A] : memref<64x16384xf32, #tpu.memory_space<hbm>> -> memref<1x16384xf32, #tpu.memory_space<hbm>>
      %dma_wait3A_143 = tpu.memref_squeeze %dma_wait3A_142 : memref<1x16384xf32, #tpu.memory_space<hbm>> -> memref<16384xf32, #tpu.memory_space<hbm>>
      %dma_wait3A_144 = arith.constant 8192 : i32
      %dma_wait3A_145 = tpu.memref_slice %dma_wait3A_143[%dma_wait3A_144] : memref<16384xf32, #tpu.memory_space<hbm>> -> memref<4096xf32, #tpu.memory_space<hbm>>
      %dma_wait3A_146 = arith.constant 0 : i32
      %dma_wait3A_147 = tpu.memref_slice %arg2[%add3A_1, %dma_wait3A_146] : memref<64x16384xf32, #tpu.memory_space<hbm>> -> memref<1x16384xf32, #tpu.memory_space<hbm>>
      %dma_wait3A_148 = tpu.memref_squeeze %dma_wait3A_147 : memref<1x16384xf32, #tpu.memory_space<hbm>> -> memref<16384xf32, #tpu.memory_space<hbm>>
      %dma_wait3A_149 = arith.constant 8192 : i32
      %dma_wait3A_150 = tpu.memref_slice %dma_wait3A_148[%dma_wait3A_149] : memref<16384xf32, #tpu.memory_space<hbm>> -> memref<4096xf32, #tpu.memory_space<hbm>>
      tpu.wait_dma2 semaphore(%run_scoped3A : memref<!tpu.dma_semaphore, #tpu.memory_space<semaphore_mem>>) src(%dma_wait3A_150 : memref<4096xf32, #tpu.memory_space<hbm>>) dst(%arg16 : memref<4096xf32, #tpu.memory_space<vmem>>)
      tpu.yield
    }) : () -> ()
    %add3A_11 = arith.constant 1 : i32
    %add3A_12 = arith.addi %add3A_1, %add3A_11 : i32
    "tpu.region"() ({
      %run_scoped3A = tpu.sem_alloc : memref<!tpu.dma_semaphore, #tpu.memory_space<semaphore_mem>>
      %dma_start3A_132 = arith.constant 0 : i32
      %dma_start3A_133 = tpu.memref_slice %arg2[%add3A_12, %dma_start3A_132] : memref<64x16384xf32, #tpu.memory_space<hbm>> -> memref<1x16384xf32, #tpu.memory_space<hbm>>
      %dma_start3A_134 = tpu.memref_squeeze %dma_start3A_133 : memref<1x16384xf32, #tpu.memory_space<hbm>> -> memref<16384xf32, #tpu.memory_space<hbm>>
      %dma_start3A_135 = arith.constant 8192 : i32
      %dma_start3A_136 = tpu.memref_slice %dma_start3A_134[%dma_start3A_135] : memref<16384xf32, #tpu.memory_space<hbm>> -> memref<4096xf32, #tpu.memory_space<hbm>>
      %dma_start3A_137 = arith.constant 0 : i32
      %dma_start3A_138 = tpu.memref_slice %arg2[%add3A_12, %dma_start3A_137] : memref<64x16384xf32, #tpu.memory_space<hbm>> -> memref<1x16384xf32, #tpu.memory_space<hbm>>
      %dma_start3A_139 = tpu.memref_squeeze %dma_start3A_138 : memref<1x16384xf32, #tpu.memory_space<hbm>> -> memref<16384xf32, #tpu.memory_space<hbm>>
      %dma_start3A_140 = arith.constant 8192 : i32
      %dma_start3A_141 = tpu.memref_slice %dma_start3A_139[%dma_start3A_140] : memref<16384xf32, #tpu.memory_space<hbm>> -> memref<4096xf32, #tpu.memory_space<hbm>>
      tpu.enqueue_dma source(%dma_start3A_141 : memref<4096xf32, #tpu.memory_space<hbm>>) target(%arg17 : memref<4096xf32, #tpu.memory_space<vmem>>) target_semaphore(%run_scoped3A : memref<!tpu.dma_semaphore, #tpu.memory_space<semaphore_mem>>)
      %dma_wait3A = arith.constant 0 : i32
      %dma_wait3A_142 = tpu.memref_slice %arg2[%add3A_12, %dma_wait3A] : memref<64x16384xf32, #tpu.memory_space<hbm>> -> memref<1x16384xf32, #tpu.memory_space<hbm>>
      %dma_wait3A_143 = tpu.memref_squeeze %dma_wait3A_142 : memref<1x16384xf32, #tpu.memory_space<hbm>> -> memref<16384xf32, #tpu.memory_space<hbm>>
      %dma_wait3A_144 = arith.constant 8192 : i32
      %dma_wait3A_145 = tpu.memref_slice %dma_wait3A_143[%dma_wait3A_144] : memref<16384xf32, #tpu.memory_space<hbm>> -> memref<4096xf32, #tpu.memory_space<hbm>>
      %dma_wait3A_146 = arith.constant 0 : i32
      %dma_wait3A_147 = tpu.memref_slice %arg2[%add3A_12, %dma_wait3A_146] : memref<64x16384xf32, #tpu.memory_space<hbm>> -> memref<1x16384xf32, #tpu.memory_space<hbm>>
      %dma_wait3A_148 = tpu.memref_squeeze %dma_wait3A_147 : memref<1x16384xf32, #tpu.memory_space<hbm>> -> memref<16384xf32, #tpu.memory_space<hbm>>
      %dma_wait3A_149 = arith.constant 8192 : i32
      %dma_wait3A_150 = tpu.memref_slice %dma_wait3A_148[%dma_wait3A_149] : memref<16384xf32, #tpu.memory_space<hbm>> -> memref<4096xf32, #tpu.memory_space<hbm>>
      tpu.wait_dma2 semaphore(%run_scoped3A : memref<!tpu.dma_semaphore, #tpu.memory_space<semaphore_mem>>) src(%dma_wait3A_150 : memref<4096xf32, #tpu.memory_space<hbm>>) dst(%arg17 : memref<4096xf32, #tpu.memory_space<vmem>>)
      tpu.yield
    }) : () -> ()
    %parallel_loop3A_13 = arith.constant 0 : i32
    %parallel_loop3A_14 = arith.constant 256 : i32
    %parallel_loop3A_15 = arith.constant 1 : i32
    scf.for %parallel_loop3A_132 = %parallel_loop3A_13 to %parallel_loop3A_14 step %parallel_loop3A_15  : i32 {
      %parallel_loop3A_133 = arith.constant 16 : i32
      %parallel_loop3A_134 = arith.muli %parallel_loop3A_132, %parallel_loop3A_133 : i32
      %parallel_loop3A_135 = arith.index_cast %parallel_loop3A_134 : i32 to index
      %parallel_loop3A_136 = tpu.vector_load %arg16[%parallel_loop3A_135] {strides = array<i32>} : memref<4096xf32, #tpu.memory_space<vmem>>, vector<16xf32>,
      %parallel_loop3A_137 = arith.index_cast %parallel_loop3A_134 : i32 to index
      %parallel_loop3A_138 = tpu.vector_load %arg17[%parallel_loop3A_137] {strides = array<i32>} : memref<4096xf32, #tpu.memory_space<vmem>>, vector<16xf32>,
      %parallel_loop3A_139 = tpu.pack_subelements %parallel_loop3A_136, %parallel_loop3A_138 {pack_format = #tpu.pack_format<interleaved>, positions = array<i32: 0, 1>} : vector<16xf32>, vector<16xf32> -> vector<32xbf16>
      %parallel_loop3A_140 = vector.bitcast %parallel_loop3A_139 : vector<32xbf16> to vector<16xf32>
      %parallel_loop3A_141 = arith.constant 16 : i32
      %parallel_loop3A_142 = arith.muli %parallel_loop3A_132, %parallel_loop3A_141 : i32
      %parallel_loop3A_143 = arith.constant 8192 : i32
      %parallel_loop3A_144 = arith.addi %parallel_loop3A_143, %parallel_loop3A_142 : i32
      %parallel_loop3A_145 = arith.index_cast %parallel_loop3A_144 : i32 to index
      %parallel_loop3A_146 = tpu.vector_load %arg6[%parallel_loop3A_145] {strides = array<i32>} : memref<16384xf32, #tpu.memory_space<vmem>>, vector<16xf32>,
      tpu.vector_store %arg6[%parallel_loop3A_145], %parallel_loop3A_140 {strides = array<i32>} : memref<16384xf32, #tpu.memory_space<vmem>>, vector<16xf32>,
    } {sc.loop_unroll_factor = 4 : i64, sc.parallel_access}
    "tpu.region"() ({
      %run_scoped3A = tpu.sem_alloc : memref<!tpu.dma_semaphore, #tpu.memory_space<semaphore_mem>>
      %dma_start3A_132 = arith.constant 0 : i32
      %dma_start3A_133 = tpu.memref_slice %arg2[%add3A_1, %dma_start3A_132] : memref<64x16384xf32, #tpu.memory_space<hbm>> -> memref<1x16384xf32, #tpu.memory_space<hbm>>
      %dma_start3A_134 = tpu.memref_squeeze %dma_start3A_133 : memref<1x16384xf32, #tpu.memory_space<hbm>> -> memref<16384xf32, #tpu.memory_space<hbm>>
      %dma_start3A_135 = arith.constant 12288 : i32
      %dma_start3A_136 = tpu.memref_slice %dma_start3A_134[%dma_start3A_135] : memref<16384xf32, #tpu.memory_space<hbm>> -> memref<4096xf32, #tpu.memory_space<hbm>>
      %dma_start3A_137 = arith.constant 0 : i32
      %dma_start3A_138 = tpu.memref_slice %arg2[%add3A_1, %dma_start3A_137] : memref<64x16384xf32, #tpu.memory_space<hbm>> -> memref<1x16384xf32, #tpu.memory_space<hbm>>
      %dma_start3A_139 = tpu.memref_squeeze %dma_start3A_138 : memref<1x16384xf32, #tpu.memory_space<hbm>> -> memref<16384xf32, #tpu.memory_space<hbm>>
      %dma_start3A_140 = arith.constant 12288 : i32
      %dma_start3A_141 = tpu.memref_slice %dma_start3A_139[%dma_start3A_140] : memref<16384xf32, #tpu.memory_space<hbm>> -> memref<4096xf32, #tpu.memory_space<hbm>>
      tpu.enqueue_dma source(%dma_start3A_141 : memref<4096xf32, #tpu.memory_space<hbm>>) target(%arg16 : memref<4096xf32, #tpu.memory_space<vmem>>) target_semaphore(%run_scoped3A : memref<!tpu.dma_semaphore, #tpu.memory_space<semaphore_mem>>)
      %dma_wait3A = arith.constant 0 : i32
      %dma_wait3A_142 = tpu.memref_slice %arg2[%add3A_1, %dma_wait3A] : memref<64x16384xf32, #tpu.memory_space<hbm>> -> memref<1x16384xf32, #tpu.memory_space<hbm>>
      %dma_wait3A_143 = tpu.memref_squeeze %dma_wait3A_142 : memref<1x16384xf32, #tpu.memory_space<hbm>> -> memref<16384xf32, #tpu.memory_space<hbm>>
      %dma_wait3A_144 = arith.constant 12288 : i32
      %dma_wait3A_145 = tpu.memref_slice %dma_wait3A_143[%dma_wait3A_144] : memref<16384xf32, #tpu.memory_space<hbm>> -> memref<4096xf32, #tpu.memory_space<hbm>>
      %dma_wait3A_146 = arith.constant 0 : i32
      %dma_wait3A_147 = tpu.memref_slice %arg2[%add3A_1, %dma_wait3A_146] : memref<64x16384xf32, #tpu.memory_space<hbm>> -> memref<1x16384xf32, #tpu.memory_space<hbm>>
      %dma_wait3A_148 = tpu.memref_squeeze %dma_wait3A_147 : memref<1x16384xf32, #tpu.memory_space<hbm>> -> memref<16384xf32, #tpu.memory_space<hbm>>
      %dma_wait3A_149 = arith.constant 12288 : i32
      %dma_wait3A_150 = tpu.memref_slice %dma_wait3A_148[%dma_wait3A_149] : memref<16384xf32, #tpu.memory_space<hbm>> -> memref<4096xf32, #tpu.memory_space<hbm>>
      tpu.wait_dma2 semaphore(%run_scoped3A : memref<!tpu.dma_semaphore, #tpu.memory_space<semaphore_mem>>) src(%dma_wait3A_150 : memref<4096xf32, #tpu.memory_space<hbm>>) dst(%arg16 : memref<4096xf32, #tpu.memory_space<vmem>>)
      tpu.yield
    }) : () -> ()
    %add3A_16 = arith.constant 1 : i32
    %add3A_17 = arith.addi %add3A_1, %add3A_16 : i32
    "tpu.region"() ({
      %run_scoped3A = tpu.sem_alloc : memref<!tpu.dma_semaphore, #tpu.memory_space<semaphore_mem>>
      %dma_start3A_132 = arith.constant 0 : i32
      %dma_start3A_133 = tpu.memref_slice %arg2[%add3A_17, %dma_start3A_132] : memref<64x16384xf32, #tpu.memory_space<hbm>> -> memref<1x16384xf32, #tpu.memory_space<hbm>>
      %dma_start3A_134 = tpu.memref_squeeze %dma_start3A_133 : memref<1x16384xf32, #tpu.memory_space<hbm>> -> memref<16384xf32, #tpu.memory_space<hbm>>
      %dma_start3A_135 = arith.constant 12288 : i32
      %dma_start3A_136 = tpu.memref_slice %dma_start3A_134[%dma_start3A_135] : memref<16384xf32, #tpu.memory_space<hbm>> -> memref<4096xf32, #tpu.memory_space<hbm>>
      %dma_start3A_137 = arith.constant 0 : i32
      %dma_start3A_138 = tpu.memref_slice %arg2[%add3A_17, %dma_start3A_137] : memref<64x16384xf32, #tpu.memory_space<hbm>> -> memref<1x16384xf32, #tpu.memory_space<hbm>>
      %dma_start3A_139 = tpu.memref_squeeze %dma_start3A_138 : memref<1x16384xf32, #tpu.memory_space<hbm>> -> memref<16384xf32, #tpu.memory_space<hbm>>
      %dma_start3A_140 = arith.constant 12288 : i32
      %dma_start3A_141 = tpu.memref_slice %dma_start3A_139[%dma_start3A_140] : memref<16384xf32, #tpu.memory_space<hbm>> -> memref<4096xf32, #tpu.memory_space<hbm>>
      tpu.enqueue_dma source(%dma_start3A_141 : memref<4096xf32, #tpu.memory_space<hbm>>) target(%arg17 : memref<4096xf32, #tpu.memory_space<vmem>>) target_semaphore(%run_scoped3A : memref<!tpu.dma_semaphore, #tpu.memory_space<semaphore_mem>>)
      %dma_wait3A = arith.constant 0 : i32
      %dma_wait3A_142 = tpu.memref_slice %arg2[%add3A_17, %dma_wait3A] : memref<64x16384xf32, #tpu.memory_space<hbm>> -> memref<1x16384xf32, #tpu.memory_space<hbm>>
      %dma_wait3A_143 = tpu.memref_squeeze %dma_wait3A_142 : memref<1x16384xf32, #tpu.memory_space<hbm>> -> memref<16384xf32, #tpu.memory_space<hbm>>
      %dma_wait3A_144 = arith.constant 12288 : i32
      %dma_wait3A_145 = tpu.memref_slice %dma_wait3A_143[%dma_wait3A_144] : memref<16384xf32, #tpu.memory_space<hbm>> -> memref<4096xf32, #tpu.memory_space<hbm>>
      %dma_wait3A_146 = arith.constant 0 : i32
      %dma_wait3A_147 = tpu.memref_slice %arg2[%add3A_17, %dma_wait3A_146] : memref<64x16384xf32, #tpu.memory_space<hbm>> -> memref<1x16384xf32, #tpu.memory_space<hbm>>
      %dma_wait3A_148 = tpu.memref_squeeze %dma_wait3A_147 : memref<1x16384xf32, #tpu.memory_space<hbm>> -> memref<16384xf32, #tpu.memory_space<hbm>>
      %dma_wait3A_149 = arith.constant 12288 : i32
      %dma_wait3A_150 = tpu.memref_slice %dma_wait3A_148[%dma_wait3A_149] : memref<16384xf32, #tpu.memory_space<hbm>> -> memref<4096xf32, #tpu.memory_space<hbm>>
      tpu.wait_dma2 semaphore(%run_scoped3A : memref<!tpu.dma_semaphore, #tpu.memory_space<semaphore_mem>>) src(%dma_wait3A_150 : memref<4096xf32, #tpu.memory_space<hbm>>) dst(%arg17 : memref<4096xf32, #tpu.memory_space<vmem>>)
      tpu.yield
    }) : () -> ()
    %parallel_loop3A_18 = arith.constant 0 : i32
    %parallel_loop3A_19 = arith.constant 256 : i32
    %parallel_loop3A_20 = arith.constant 1 : i32
    scf.for %parallel_loop3A_132 = %parallel_loop3A_18 to %parallel_loop3A_19 step %parallel_loop3A_20  : i32 {
      %parallel_loop3A_133 = arith.constant 16 : i32
      %parallel_loop3A_134 = arith.muli %parallel_loop3A_132, %parallel_loop3A_133 : i32
      %parallel_loop3A_135 = arith.index_cast %parallel_loop3A_134 : i32 to index
      %parallel_loop3A_136 = tpu.vector_load %arg16[%parallel_loop3A_135] {strides = array<i32>} : memref<4096xf32, #tpu.memory_space<vmem>>, vector<16xf32>,
      %parallel_loop3A_137 = arith.index_cast %parallel_loop3A_134 : i32 to index
      %parallel_loop3A_138 = tpu.vector_load %arg17[%parallel_loop3A_137] {strides = array<i32>} : memref<4096xf32, #tpu.memory_space<vmem>>, vector<16xf32>,
      %parallel_loop3A_139 = tpu.pack_subelements %parallel_loop3A_136, %parallel_loop3A_138 {pack_format = #tpu.pack_format<interleaved>, positions = array<i32: 0, 1>} : vector<16xf32>, vector<16xf32> -> vector<32xbf16>
      %parallel_loop3A_140 = vector.bitcast %parallel_loop3A_139 : vector<32xbf16> to vector<16xf32>
      %parallel_loop3A_141 = arith.constant 16 : i32
      %parallel_loop3A_142 = arith.muli %parallel_loop3A_132, %parallel_loop3A_141 : i32
      %parallel_loop3A_143 = arith.constant 12288 : i32
      %parallel_loop3A_144 = arith.addi %parallel_loop3A_143, %parallel_loop3A_142 : i32
      %parallel_loop3A_145 = arith.index_cast %parallel_loop3A_144 : i32 to index
      %parallel_loop3A_146 = tpu.vector_load %arg6[%parallel_loop3A_145] {strides = array<i32>} : memref<16384xf32, #tpu.memory_space<vmem>>, vector<16xf32>,
      tpu.vector_store %arg6[%parallel_loop3A_145], %parallel_loop3A_140 {strides = array<i32>} : memref<16384xf32, #tpu.memory_space<vmem>>, vector<16xf32>,
    } {sc.loop_unroll_factor = 4 : i64, sc.parallel_access}
    %mul3A_21 = arith.constant 4 : i32
    %mul3A_22 = arith.muli %arg1, %mul3A_21 : i32
    %add3A_23 = arith.constant 2 : i32
    %add3A_24 = arith.addi %mul3A_22, %add3A_23 : i32
    "tpu.region"() ({
      %run_scoped3A = tpu.sem_alloc : memref<!tpu.dma_semaphore, #tpu.memory_space<semaphore_mem>>
      %dma_start3A_132 = arith.constant 0 : i32
      %dma_start3A_133 = tpu.memref_slice %arg2[%add3A_24, %dma_start3A_132] : memref<64x16384xf32, #tpu.memory_space<hbm>> -> memref<1x16384xf32, #tpu.memory_space<hbm>>
      %dma_start3A_134 = tpu.memref_squeeze %dma_start3A_133 : memref<1x16384xf32, #tpu.memory_space<hbm>> -> memref<16384xf32, #tpu.memory_space<hbm>>
      %dma_start3A_135 = arith.constant 0 : i32
      %dma_start3A_136 = tpu.memref_slice %dma_start3A_134[%dma_start3A_135] : memref<16384xf32, #tpu.memory_space<hbm>> -> memref<4096xf32, #tpu.memory_space<hbm>>
      %dma_start3A_137 = arith.constant 0 : i32
      %dma_start3A_138 = tpu.memref_slice %arg2[%add3A_24, %dma_start3A_137] : memref<64x16384xf32, #tpu.memory_space<hbm>> -> memref<1x16384xf32, #tpu.memory_space<hbm>>
      %dma_start3A_139 = tpu.memref_squeeze %dma_start3A_138 : memref<1x16384xf32, #tpu.memory_space<hbm>> -> memref<16384xf32, #tpu.memory_space<hbm>>
      %dma_start3A_140 = arith.constant 0 : i32
      %dma_start3A_141 = tpu.memref_slice %dma_start3A_139[%dma_start3A_140] : memref<16384xf32, #tpu.memory_space<hbm>> -> memref<4096xf32, #tpu.memory_space<hbm>>
      tpu.enqueue_dma source(%dma_start3A_141 : memref<4096xf32, #tpu.memory_space<hbm>>) target(%arg16 : memref<4096xf32, #tpu.memory_space<vmem>>) target_semaphore(%run_scoped3A : memref<!tpu.dma_semaphore, #tpu.memory_space<semaphore_mem>>)
      %dma_wait3A = arith.constant 0 : i32
      %dma_wait3A_142 = tpu.memref_slice %arg2[%add3A_24, %dma_wait3A] : memref<64x16384xf32, #tpu.memory_space<hbm>> -> memref<1x16384xf32, #tpu.memory_space<hbm>>
      %dma_wait3A_143 = tpu.memref_squeeze %dma_wait3A_142 : memref<1x16384xf32, #tpu.memory_space<hbm>> -> memref<16384xf32, #tpu.memory_space<hbm>>
      %dma_wait3A_144 = arith.constant 0 : i32
      %dma_wait3A_145 = tpu.memref_slice %dma_wait3A_143[%dma_wait3A_144] : memref<16384xf32, #tpu.memory_space<hbm>> -> memref<4096xf32, #tpu.memory_space<hbm>>
      %dma_wait3A_146 = arith.constant 0 : i32
      %dma_wait3A_147 = tpu.memref_slice %arg2[%add3A_24, %dma_wait3A_146] : memref<64x16384xf32, #tpu.memory_space<hbm>> -> memref<1x16384xf32, #tpu.memory_space<hbm>>
      %dma_wait3A_148 = tpu.memref_squeeze %dma_wait3A_147 : memref<1x16384xf32, #tpu.memory_space<hbm>> -> memref<16384xf32, #tpu.memory_space<hbm>>
      %dma_wait3A_149 = arith.constant 0 : i32
      %dma_wait3A_150 = tpu.memref_slice %dma_wait3A_148[%dma_wait3A_149] : memref<16384xf32, #tpu.memory_space<hbm>> -> memref<4096xf32, #tpu.memory_space<hbm>>
      tpu.wait_dma2 semaphore(%run_scoped3A : memref<!tpu.dma_semaphore, #tpu.memory_space<semaphore_mem>>) src(%dma_wait3A_150 : memref<4096xf32, #tpu.memory_space<hbm>>) dst(%arg16 : memref<4096xf32, #tpu.memory_space<vmem>>)
      tpu.yield
    }) : () -> ()
    %add3A_25 = arith.constant 1 : i32
    %add3A_26 = arith.addi %add3A_24, %add3A_25 : i32
    "tpu.region"() ({
      %run_scoped3A = tpu.sem_alloc : memref<!tpu.dma_semaphore, #tpu.memory_space<semaphore_mem>>
      %dma_start3A_132 = arith.constant 0 : i32
      %dma_start3A_133 = tpu.memref_slice %arg2[%add3A_26, %dma_start3A_132] : memref<64x16384xf32, #tpu.memory_space<hbm>> -> memref<1x16384xf32, #tpu.memory_space<hbm>>
      %dma_start3A_134 = tpu.memref_squeeze %dma_start3A_133 : memref<1x16384xf32, #tpu.memory_space<hbm>> -> memref<16384xf32, #tpu.memory_space<hbm>>
      %dma_start3A_135 = arith.constant 0 : i32
      %dma_start3A_136 = tpu.memref_slice %dma_start3A_134[%dma_start3A_135] : memref<16384xf32, #tpu.memory_space<hbm>> -> memref<4096xf32, #tpu.memory_space<hbm>>
      %dma_start3A_137 = arith.constant 0 : i32
      %dma_start3A_138 = tpu.memref_slice %arg2[%add3A_26, %dma_start3A_137] : memref<64x16384xf32, #tpu.memory_space<hbm>> -> memref<1x16384xf32, #tpu.memory_space<hbm>>
      %dma_start3A_139 = tpu.memref_squeeze %dma_start3A_138 : memref<1x16384xf32, #tpu.memory_space<hbm>> -> memref<16384xf32, #tpu.memory_space<hbm>>
      %dma_start3A_140 = arith.constant 0 : i32
      %dma_start3A_141 = tpu.memref_slice %dma_start3A_139[%dma_start3A_140] : memref<16384xf32, #tpu.memory_space<hbm>> -> memref<4096xf32, #tpu.memory_space<hbm>>
      tpu.enqueue_dma source(%dma_start3A_141 : memref<4096xf32, #tpu.memory_space<hbm>>) target(%arg17 : memref<4096xf32, #tpu.memory_space<vmem>>) target_semaphore(%run_scoped3A : memref<!tpu.dma_semaphore, #tpu.memory_space<semaphore_mem>>)
      %dma_wait3A = arith.constant 0 : i32
      %dma_wait3A_142 = tpu.memref_slice %arg2[%add3A_26, %dma_wait3A] : memref<64x16384xf32, #tpu.memory_space<hbm>> -> memref<1x16384xf32, #tpu.memory_space<hbm>>
      %dma_wait3A_143 = tpu.memref_squeeze %dma_wait3A_142 : memref<1x16384xf32, #tpu.memory_space<hbm>> -> memref<16384xf32, #tpu.memory_space<hbm>>
      %dma_wait3A_144 = arith.constant 0 : i32
      %dma_wait3A_145 = tpu.memref_slice %dma_wait3A_143[%dma_wait3A_144] : memref<16384xf32, #tpu.memory_space<hbm>> -> memref<4096xf32, #tpu.memory_space<hbm>>
      %dma_wait3A_146 = arith.constant 0 : i32
      %dma_wait3A_147 = tpu.memref_slice %arg2[%add3A_26, %dma_wait3A_146] : memref<64x16384xf32, #tpu.memory_space<hbm>> -> memref<1x16384xf32, #tpu.memory_space<hbm>>
      %dma_wait3A_148 = tpu.memref_squeeze %dma_wait3A_147 : memref<1x16384xf32, #tpu.memory_space<hbm>> -> memref<16384xf32, #tpu.memory_space<hbm>>
      %dma_wait3A_149 = arith.constant 0 : i32
      %dma_wait3A_150 = tpu.memref_slice %dma_wait3A_148[%dma_wait3A_149] : memref<16384xf32, #tpu.memory_space<hbm>> -> memref<4096xf32, #tpu.memory_space<hbm>>
      tpu.wait_dma2 semaphore(%run_scoped3A : memref<!tpu.dma_semaphore, #tpu.memory_space<semaphore_mem>>) src(%dma_wait3A_150 : memref<4096xf32, #tpu.memory_space<hbm>>) dst(%arg17 : memref<4096xf32, #tpu.memory_space<vmem>>)
      tpu.yield
    }) : () -> ()
    %parallel_loop3A_27 = arith.constant 0 : i32
    %parallel_loop3A_28 = arith.constant 256 : i32
    %parallel_loop3A_29 = arith.constant 1 : i32
    scf.for %parallel_loop3A_132 = %parallel_loop3A_27 to %parallel_loop3A_28 step %parallel_loop3A_29  : i32 {
      %parallel_loop3A_133 = arith.constant 16 : i32
      %parallel_loop3A_134 = arith.muli %parallel_loop3A_132, %parallel_loop3A_133 : i32
      %parallel_loop3A_135 = arith.index_cast %parallel_loop3A_134 : i32 to index
      %parallel_loop3A_136 = tpu.vector_load %arg16[%parallel_loop3A_135] {strides = array<i32>} : memref<4096xf32, #tpu.memory_space<vmem>>, vector<16xf32>,
      %parallel_loop3A_137 = arith.index_cast %parallel_loop3A_134 : i32 to index
      %parallel_loop3A_138 = tpu.vector_load %arg17[%parallel_loop3A_137] {strides = array<i32>} : memref<4096xf32, #tpu.memory_space<vmem>>, vector<16xf32>,
      %parallel_loop3A_139 = tpu.pack_subelements %parallel_loop3A_136, %parallel_loop3A_138 {pack_format = #tpu.pack_format<interleaved>, positions = array<i32: 0, 1>} : vector<16xf32>, vector<16xf32> -> vector<32xbf16>
      %parallel_loop3A_140 = vector.bitcast %parallel_loop3A_139 : vector<32xbf16> to vector<16xf32>
      %parallel_loop3A_141 = arith.constant 16 : i32
      %parallel_loop3A_142 = arith.muli %parallel_loop3A_132, %parallel_loop3A_141 : i32
      %parallel_loop3A_143 = arith.constant 0 : i32
      %parallel_loop3A_144 = arith.addi %parallel_loop3A_143, %parallel_loop3A_142 : i32
      %parallel_loop3A_145 = arith.index_cast %parallel_loop3A_144 : i32 to index
      %parallel_loop3A_146 = tpu.vector_load %arg7[%parallel_loop3A_145] {strides = array<i32>} : memref<16384xf32, #tpu.memory_space<vmem>>, vector<16xf32>,
      tpu.vector_store %arg7[%parallel_loop3A_145], %parallel_loop3A_140 {strides = array<i32>} : memref<16384xf32, #tpu.memory_space<vmem>>, vector<16xf32>,
    } {sc.loop_unroll_factor = 4 : i64, sc.parallel_access}
    "tpu.region"() ({
      %run_scoped3A = tpu.sem_alloc : memref<!tpu.dma_semaphore, #tpu.memory_space<semaphore_mem>>
      %dma_start3A_132 = arith.constant 0 : i32
      %dma_start3A_133 = tpu.memref_slice %arg2[%add3A_24, %dma_start3A_132] : memref<64x16384xf32, #tpu.memory_space<hbm>> -> memref<1x16384xf32, #tpu.memory_space<hbm>>
      %dma_start3A_134 = tpu.memref_squeeze %dma_start3A_133 : memref<1x16384xf32, #tpu.memory_space<hbm>> -> memref<16384xf32, #tpu.memory_space<hbm>>
      %dma_start3A_135 = arith.constant 4096 : i32
      %dma_start3A_136 = tpu.memref_slice %dma_start3A_134[%dma_start3A_135] : memref<16384xf32, #tpu.memory_space<hbm>> -> memref<4096xf32, #tpu.memory_space<hbm>>
      %dma_start3A_137 = arith.constant 0 : i32
      %dma_start3A_138 = tpu.memref_slice %arg2[%add3A_24, %dma_start3A_137] : memref<64x16384xf32, #tpu.memory_space<hbm>> -> memref<1x16384xf32, #tpu.memory_space<hbm>>
      %dma_start3A_139 = tpu.memref_squeeze %dma_start3A_138 : memref<1x16384xf32, #tpu.memory_space<hbm>> -> memref<16384xf32, #tpu.memory_space<hbm>>
      %dma_start3A_140 = arith.constant 4096 : i32
      %dma_start3A_141 = tpu.memref_slice %dma_start3A_139[%dma_start3A_140] : memref<16384xf32, #tpu.memory_space<hbm>> -> memref<4096xf32, #tpu.memory_space<hbm>>
      tpu.enqueue_dma source(%dma_start3A_141 : memref<4096xf32, #tpu.memory_space<hbm>>) target(%arg16 : memref<4096xf32, #tpu.memory_space<vmem>>) target_semaphore(%run_scoped3A : memref<!tpu.dma_semaphore, #tpu.memory_space<semaphore_mem>>)
      %dma_wait3A = arith.constant 0 : i32
      %dma_wait3A_142 = tpu.memref_slice %arg2[%add3A_24, %dma_wait3A] : memref<64x16384xf32, #tpu.memory_space<hbm>> -> memref<1x16384xf32, #tpu.memory_space<hbm>>
      %dma_wait3A_143 = tpu.memref_squeeze %dma_wait3A_142 : memref<1x16384xf32, #tpu.memory_space<hbm>> -> memref<16384xf32, #tpu.memory_space<hbm>>
      %dma_wait3A_144 = arith.constant 4096 : i32
      %dma_wait3A_145 = tpu.memref_slice %dma_wait3A_143[%dma_wait3A_144] : memref<16384xf32, #tpu.memory_space<hbm>> -> memref<4096xf32, #tpu.memory_space<hbm>>
      %dma_wait3A_146 = arith.constant 0 : i32
      %dma_wait3A_147 = tpu.memref_slice %arg2[%add3A_24, %dma_wait3A_146] : memref<64x16384xf32, #tpu.memory_space<hbm>> -> memref<1x16384xf32, #tpu.memory_space<hbm>>
      %dma_wait3A_148 = tpu.memref_squeeze %dma_wait3A_147 : memref<1x16384xf32, #tpu.memory_space<hbm>> -> memref<16384xf32, #tpu.memory_space<hbm>>
      %dma_wait3A_149 = arith.constant 4096 : i32
      %dma_wait3A_150 = tpu.memref_slice %dma_wait3A_148[%dma_wait3A_149] : memref<16384xf32, #tpu.memory_space<hbm>> -> memref<4096xf32, #tpu.memory_space<hbm>>
      tpu.wait_dma2 semaphore(%run_scoped3A : memref<!tpu.dma_semaphore, #tpu.memory_space<semaphore_mem>>) src(%dma_wait3A_150 : memref<4096xf32, #tpu.memory_space<hbm>>) dst(%arg16 : memref<4096xf32, #tpu.memory_space<vmem>>)
      tpu.yield
    }) : () -> ()
    %add3A_30 = arith.constant 1 : i32
    %add3A_31 = arith.addi %add3A_24, %add3A_30 : i32
    "tpu.region"() ({
      %run_scoped3A = tpu.sem_alloc : memref<!tpu.dma_semaphore, #tpu.memory_space<semaphore_mem>>
      %dma_start3A_132 = arith.constant 0 : i32
      %dma_start3A_133 = tpu.memref_slice %arg2[%add3A_31, %dma_start3A_132] : memref<64x16384xf32, #tpu.memory_space<hbm>> -> memref<1x16384xf32, #tpu.memory_space<hbm>>
      %dma_start3A_134 = tpu.memref_squeeze %dma_start3A_133 : memref<1x16384xf32, #tpu.memory_space<hbm>> -> memref<16384xf32, #tpu.memory_space<hbm>>
      %dma_start3A_135 = arith.constant 4096 : i32
      %dma_start3A_136 = tpu.memref_slice %dma_start3A_134[%dma_start3A_135] : memref<16384xf32, #tpu.memory_space<hbm>> -> memref<4096xf32, #tpu.memory_space<hbm>>
      %dma_start3A_137 = arith.constant 0 : i32
      %dma_start3A_138 = tpu.memref_slice %arg2[%add3A_31, %dma_start3A_137] : memref<64x16384xf32, #tpu.memory_space<hbm>> -> memref<1x16384xf32, #tpu.memory_space<hbm>>
      %dma_start3A_139 = tpu.memref_squeeze %dma_start3A_138 : memref<1x16384xf32, #tpu.memory_space<hbm>> -> memref<16384xf32, #tpu.memory_space<hbm>>
      %dma_start3A_140 = arith.constant 4096 : i32
      %dma_start3A_141 = tpu.memref_slice %dma_start3A_139[%dma_start3A_140] : memref<16384xf32, #tpu.memory_space<hbm>> -> memref<4096xf32, #tpu.memory_space<hbm>>
      tpu.enqueue_dma source(%dma_start3A_141 : memref<4096xf32, #tpu.memory_space<hbm>>) target(%arg17 : memref<4096xf32, #tpu.memory_space<vmem>>) target_semaphore(%run_scoped3A : memref<!tpu.dma_semaphore, #tpu.memory_space<semaphore_mem>>)
      %dma_wait3A = arith.constant 0 : i32
      %dma_wait3A_142 = tpu.memref_slice %arg2[%add3A_31, %dma_wait3A] : memref<64x16384xf32, #tpu.memory_space<hbm>> -> memref<1x16384xf32, #tpu.memory_space<hbm>>
      %dma_wait3A_143 = tpu.memref_squeeze %dma_wait3A_142 : memref<1x16384xf32, #tpu.memory_space<hbm>> -> memref<16384xf32, #tpu.memory_space<hbm>>
      %dma_wait3A_144 = arith.constant 4096 : i32
      %dma_wait3A_145 = tpu.memref_slice %dma_wait3A_143[%dma_wait3A_144] : memref<16384xf32, #tpu.memory_space<hbm>> -> memref<4096xf32, #tpu.memory_space<hbm>>
      %dma_wait3A_146 = arith.constant 0 : i32
      %dma_wait3A_147 = tpu.memref_slice %arg2[%add3A_31, %dma_wait3A_146] : memref<64x16384xf32, #tpu.memory_space<hbm>> -> memref<1x16384xf32, #tpu.memory_space<hbm>>
      %dma_wait3A_148 = tpu.memref_squeeze %dma_wait3A_147 : memref<1x16384xf32, #tpu.memory_space<hbm>> -> memref<16384xf32, #tpu.memory_space<hbm>>
      %dma_wait3A_149 = arith.constant 4096 : i32
      %dma_wait3A_150 = tpu.memref_slice %dma_wait3A_148[%dma_wait3A_149] : memref<16384xf32, #tpu.memory_space<hbm>> -> memref<4096xf32, #tpu.memory_space<hbm>>
      tpu.wait_dma2 semaphore(%run_scoped3A : memref<!tpu.dma_semaphore, #tpu.memory_space<semaphore_mem>>) src(%dma_wait3A_150 : memref<4096xf32, #tpu.memory_space<hbm>>) dst(%arg17 : memref<4096xf32, #tpu.memory_space<vmem>>)
      tpu.yield
    }) : () -> ()
    %parallel_loop3A_32 = arith.constant 0 : i32
    %parallel_loop3A_33 = arith.constant 256 : i32
    %parallel_loop3A_34 = arith.constant 1 : i32
    scf.for %parallel_loop3A_132 = %parallel_loop3A_32 to %parallel_loop3A_33 step %parallel_loop3A_34  : i32 {
      %parallel_loop3A_133 = arith.constant 16 : i32
      %parallel_loop3A_134 = arith.muli %parallel_loop3A_132, %parallel_loop3A_133 : i32
      %parallel_loop3A_135 = arith.index_cast %parallel_loop3A_134 : i32 to index
      %parallel_loop3A_136 = tpu.vector_load %arg16[%parallel_loop3A_135] {strides = array<i32>} : memref<4096xf32, #tpu.memory_space<vmem>>, vector<16xf32>,
      %parallel_loop3A_137 = arith.index_cast %parallel_loop3A_134 : i32 to index
      %parallel_loop3A_138 = tpu.vector_load %arg17[%parallel_loop3A_137] {strides = array<i32>} : memref<4096xf32, #tpu.memory_space<vmem>>, vector<16xf32>,
      %parallel_loop3A_139 = tpu.pack_subelements %parallel_loop3A_136, %parallel_loop3A_138 {pack_format = #tpu.pack_format<interleaved>, positions = array<i32: 0, 1>} : vector<16xf32>, vector<16xf32> -> vector<32xbf16>
      %parallel_loop3A_140 = vector.bitcast %parallel_loop3A_139 : vector<32xbf16> to vector<16xf32>
      %parallel_loop3A_141 = arith.constant 16 : i32
      %parallel_loop3A_142 = arith.muli %parallel_loop3A_132, %parallel_loop3A_141 : i32
      %parallel_loop3A_143 = arith.constant 4096 : i32
      %parallel_loop3A_144 = arith.addi %parallel_loop3A_143, %parallel_loop3A_142 : i32
      %parallel_loop3A_145 = arith.index_cast %parallel_loop3A_144 : i32 to index
      %parallel_loop3A_146 = tpu.vector_load %arg7[%parallel_loop3A_145] {strides = array<i32>} : memref<16384xf32, #tpu.memory_space<vmem>>, vector<16xf32>,
      tpu.vector_store %arg7[%parallel_loop3A_145], %parallel_loop3A_140 {strides = array<i32>} : memref<16384xf32, #tpu.memory_space<vmem>>, vector<16xf32>,
    } {sc.loop_unroll_factor = 4 : i64, sc.parallel_access}
    "tpu.region"() ({
      %run_scoped3A = tpu.sem_alloc : memref<!tpu.dma_semaphore, #tpu.memory_space<semaphore_mem>>
      %dma_start3A_132 = arith.constant 0 : i32
      %dma_start3A_133 = tpu.memref_slice %arg2[%add3A_24, %dma_start3A_132] : memref<64x16384xf32, #tpu.memory_space<hbm>> -> memref<1x16384xf32, #tpu.memory_space<hbm>>
      %dma_start3A_134 = tpu.memref_squeeze %dma_start3A_133 : memref<1x16384xf32, #tpu.memory_space<hbm>> -> memref<16384xf32, #tpu.memory_space<hbm>>
      %dma_start3A_135 = arith.constant 8192 : i32
      %dma_start3A_136 = tpu.memref_slice %dma_start3A_134[%dma_start3A_135] : memref<16384xf32, #tpu.memory_space<hbm>> -> memref<4096xf32, #tpu.memory_space<hbm>>
      %dma_start3A_137 = arith.constant 0 : i32
      %dma_start3A_138 = tpu.memref_slice %arg2[%add3A_24, %dma_start3A_137] : memref<64x16384xf32, #tpu.memory_space<hbm>> -> memref<1x16384xf32, #tpu.memory_space<hbm>>
      %dma_start3A_139 = tpu.memref_squeeze %dma_start3A_138 : memref<1x16384xf32, #tpu.memory_space<hbm>> -> memref<16384xf32, #tpu.memory_space<hbm>>
      %dma_start3A_140 = arith.constant 8192 : i32
      %dma_start3A_141 = tpu.memref_slice %dma_start3A_139[%dma_start3A_140] : memref<16384xf32, #tpu.memory_space<hbm>> -> memref<4096xf32, #tpu.memory_space<hbm>>
      tpu.enqueue_dma source(%dma_start3A_141 : memref<4096xf32, #tpu.memory_space<hbm>>) target(%arg16 : memref<4096xf32, #tpu.memory_space<vmem>>) target_semaphore(%run_scoped3A : memref<!tpu.dma_semaphore, #tpu.memory_space<semaphore_mem>>)
      %dma_wait3A = arith.constant 0 : i32
      %dma_wait3A_142 = tpu.memref_slice %arg2[%add3A_24, %dma_wait3A] : memref<64x16384xf32, #tpu.memory_space<hbm>> -> memref<1x16384xf32, #tpu.memory_space<hbm>>
      %dma_wait3A_143 = tpu.memref_squeeze %dma_wait3A_142 : memref<1x16384xf32, #tpu.memory_space<hbm>> -> memref<16384xf32, #tpu.memory_space<hbm>>
      %dma_wait3A_144 = arith.constant 8192 : i32
      %dma_wait3A_145 = tpu.memref_slice %dma_wait3A_143[%dma_wait3A_144] : memref<16384xf32, #tpu.memory_space<hbm>> -> memref<4096xf32, #tpu.memory_space<hbm>>
      %dma_wait3A_146 = arith.constant 0 : i32
      %dma_wait3A_147 = tpu.memref_slice %arg2[%add3A_24, %dma_wait3A_146] : memref<64x16384xf32, #tpu.memory_space<hbm>> -> memref<1x16384xf32, #tpu.memory_space<hbm>>
      %dma_wait3A_148 = tpu.memref_squeeze %dma_wait3A_147 : memref<1x16384xf32, #tpu.memory_space<hbm>> -> memref<16384xf32, #tpu.memory_space<hbm>>
      %dma_wait3A_149 = arith.constant 8192 : i32
      %dma_wait3A_150 = tpu.memref_slice %dma_wait3A_148[%dma_wait3A_149] : memref<16384xf32, #tpu.memory_space<hbm>> -> memref<4096xf32, #tpu.memory_space<hbm>>
      tpu.wait_dma2 semaphore(%run_scoped3A : memref<!tpu.dma_semaphore, #tpu.memory_space<semaphore_mem>>) src(%dma_wait3A_150 : memref<4096xf32, #tpu.memory_space<hbm>>) dst(%arg16 : memref<4096xf32, #tpu.memory_space<vmem>>)
      tpu.yield
    }) : () -> ()
    %add3A_35 = arith.constant 1 : i32
    %add3A_36 = arith.addi %add3A_24, %add3A_35 : i32
    "tpu.region"() ({
      %run_scoped3A = tpu.sem_alloc : memref<!tpu.dma_semaphore, #tpu.memory_space<semaphore_mem>>
      %dma_start3A_132 = arith.constant 0 : i32
      %dma_start3A_133 = tpu.memref_slice %arg2[%add3A_36, %dma_start3A_132] : memref<64x16384xf32, #tpu.memory_space<hbm>> -> memref<1x16384xf32, #tpu.memory_space<hbm>>
      %dma_start3A_134 = tpu.memref_squeeze %dma_start3A_133 : memref<1x16384xf32, #tpu.memory_space<hbm>> -> memref<16384xf32, #tpu.memory_space<hbm>>
      %dma_start3A_135 = arith.constant 8192 : i32
      %dma_start3A_136 = tpu.memref_slice %dma_start3A_134[%dma_start3A_135] : memref<16384xf32, #tpu.memory_space<hbm>> -> memref<4096xf32, #tpu.memory_space<hbm>>
      %dma_start3A_137 = arith.constant 0 : i32
      %dma_start3A_138 = tpu.memref_slice %arg2[%add3A_36, %dma_start3A_137] : memref<64x16384xf32, #tpu.memory_space<hbm>> -> memref<1x16384xf32, #tpu.memory_space<hbm>>
      %dma_start3A_139 = tpu.memref_squeeze %dma_start3A_138 : memref<1x16384xf32, #tpu.memory_space<hbm>> -> memref<16384xf32, #tpu.memory_space<hbm>>
      %dma_start3A_140 = arith.constant 8192 : i32
      %dma_start3A_141 = tpu.memref_slice %dma_start3A_139[%dma_start3A_140] : memref<16384xf32, #tpu.memory_space<hbm>> -> memref<4096xf32, #tpu.memory_space<hbm>>
      tpu.enqueue_dma source(%dma_start3A_141 : memref<4096xf32, #tpu.memory_space<hbm>>) target(%arg17 : memref<4096xf32, #tpu.memory_space<vmem>>) target_semaphore(%run_scoped3A : memref<!tpu.dma_semaphore, #tpu.memory_space<semaphore_mem>>)
      %dma_wait3A = arith.constant 0 : i32
      %dma_wait3A_142 = tpu.memref_slice %arg2[%add3A_36, %dma_wait3A] : memref<64x16384xf32, #tpu.memory_space<hbm>> -> memref<1x16384xf32, #tpu.memory_space<hbm>>
      %dma_wait3A_143 = tpu.memref_squeeze %dma_wait3A_142 : memref<1x16384xf32, #tpu.memory_space<hbm>> -> memref<16384xf32, #tpu.memory_space<hbm>>
      %dma_wait3A_144 = arith.constant 8192 : i32
      %dma_wait3A_145 = tpu.memref_slice %dma_wait3A_143[%dma_wait3A_144] : memref<16384xf32, #tpu.memory_space<hbm>> -> memref<4096xf32, #tpu.memory_space<hbm>>
      %dma_wait3A_146 = arith.constant 0 : i32
      %dma_wait3A_147 = tpu.memref_slice %arg2[%add3A_36, %dma_wait3A_146] : memref<64x16384xf32, #tpu.memory_space<hbm>> -> memref<1x16384xf32, #tpu.memory_space<hbm>>
      %dma_wait3A_148 = tpu.memref_squeeze %dma_wait3A_147 : memref<1x16384xf32, #tpu.memory_space<hbm>> -> memref<16384xf32, #tpu.memory_space<hbm>>
      %dma_wait3A_149 = arith.constant 8192 : i32
      %dma_wait3A_150 = tpu.memref_slice %dma_wait3A_148[%dma_wait3A_149] : memref<16384xf32, #tpu.memory_space<hbm>> -> memref<4096xf32, #tpu.memory_space<hbm>>
      tpu.wait_dma2 semaphore(%run_scoped3A : memref<!tpu.dma_semaphore, #tpu.memory_space<semaphore_mem>>) src(%dma_wait3A_150 : memref<4096xf32, #tpu.memory_space<hbm>>) dst(%arg17 : memref<4096xf32, #tpu.memory_space<vmem>>)
      tpu.yield
    }) : () -> ()
    %parallel_loop3A_37 = arith.constant 0 : i32
    %parallel_loop3A_38 = arith.constant 256 : i32
    %parallel_loop3A_39 = arith.constant 1 : i32
    scf.for %parallel_loop3A_132 = %parallel_loop3A_37 to %parallel_loop3A_38 step %parallel_loop3A_39  : i32 {
      %parallel_loop3A_133 = arith.constant 16 : i32
      %parallel_loop3A_134 = arith.muli %parallel_loop3A_132, %parallel_loop3A_133 : i32
      %parallel_loop3A_135 = arith.index_cast %parallel_loop3A_134 : i32 to index
      %parallel_loop3A_136 = tpu.vector_load %arg16[%parallel_loop3A_135] {strides = array<i32>} : memref<4096xf32, #tpu.memory_space<vmem>>, vector<16xf32>,
      %parallel_loop3A_137 = arith.index_cast %parallel_loop3A_134 : i32 to index
      %parallel_loop3A_138 = tpu.vector_load %arg17[%parallel_loop3A_137] {strides = array<i32>} : memref<4096xf32, #tpu.memory_space<vmem>>, vector<16xf32>,
      %parallel_loop3A_139 = tpu.pack_subelements %parallel_loop3A_136, %parallel_loop3A_138 {pack_format = #tpu.pack_format<interleaved>, positions = array<i32: 0, 1>} : vector<16xf32>, vector<16xf32> -> vector<32xbf16>
      %parallel_loop3A_140 = vector.bitcast %parallel_loop3A_139 : vector<32xbf16> to vector<16xf32>
      %parallel_loop3A_141 = arith.constant 16 : i32
      %parallel_loop3A_142 = arith.muli %parallel_loop3A_132, %parallel_loop3A_141 : i32
      %parallel_loop3A_143 = arith.constant 8192 : i32
      %parallel_loop3A_144 = arith.addi %parallel_loop3A_143, %parallel_loop3A_142 : i32
      %parallel_loop3A_145 = arith.index_cast %parallel_loop3A_144 : i32 to index
      %parallel_loop3A_146 = tpu.vector_load %arg7[%parallel_loop3A_145] {strides = array<i32>} : memref<16384xf32, #tpu.memory_space<vmem>>, vector<16xf32>,
      tpu.vector_store %arg7[%parallel_loop3A_145], %parallel_loop3A_140 {strides = array<i32>} : memref<16384xf32, #tpu.memory_space<vmem>>, vector<16xf32>,
    } {sc.loop_unroll_factor = 4 : i64, sc.parallel_access}
    "tpu.region"() ({
      %run_scoped3A = tpu.sem_alloc : memref<!tpu.dma_semaphore, #tpu.memory_space<semaphore_mem>>
      %dma_start3A_132 = arith.constant 0 : i32
      %dma_start3A_133 = tpu.memref_slice %arg2[%add3A_24, %dma_start3A_132] : memref<64x16384xf32, #tpu.memory_space<hbm>> -> memref<1x16384xf32, #tpu.memory_space<hbm>>
      %dma_start3A_134 = tpu.memref_squeeze %dma_start3A_133 : memref<1x16384xf32, #tpu.memory_space<hbm>> -> memref<16384xf32, #tpu.memory_space<hbm>>
      %dma_start3A_135 = arith.constant 12288 : i32
      %dma_start3A_136 = tpu.memref_slice %dma_start3A_134[%dma_start3A_135] : memref<16384xf32, #tpu.memory_space<hbm>> -> memref<4096xf32, #tpu.memory_space<hbm>>
      %dma_start3A_137 = arith.constant 0 : i32
      %dma_start3A_138 = tpu.memref_slice %arg2[%add3A_24, %dma_start3A_137] : memref<64x16384xf32, #tpu.memory_space<hbm>> -> memref<1x16384xf32, #tpu.memory_space<hbm>>
      %dma_start3A_139 = tpu.memref_squeeze %dma_start3A_138 : memref<1x16384xf32, #tpu.memory_space<hbm>> -> memref<16384xf32, #tpu.memory_space<hbm>>
      %dma_start3A_140 = arith.constant 12288 : i32
      %dma_start3A_141 = tpu.memref_slice %dma_start3A_139[%dma_start3A_140] : memref<16384xf32, #tpu.memory_space<hbm>> -> memref<4096xf32, #tpu.memory_space<hbm>>
      tpu.enqueue_dma source(%dma_start3A_141 : memref<4096xf32, #tpu.memory_space<hbm>>) target(%arg16 : memref<4096xf32, #tpu.memory_space<vmem>>) target_semaphore(%run_scoped3A : memref<!tpu.dma_semaphore, #tpu.memory_space<semaphore_mem>>)
      %dma_wait3A = arith.constant 0 : i32
      %dma_wait3A_142 = tpu.memref_slice %arg2[%add3A_24, %dma_wait3A] : memref<64x16384xf32, #tpu.memory_space<hbm>> -> memref<1x16384xf32, #tpu.memory_space<hbm>>
      %dma_wait3A_143 = tpu.memref_squeeze %dma_wait3A_142 : memref<1x16384xf32, #tpu.memory_space<hbm>> -> memref<16384xf32, #tpu.memory_space<hbm>>
      %dma_wait3A_144 = arith.constant 12288 : i32
      %dma_wait3A_145 = tpu.memref_slice %dma_wait3A_143[%dma_wait3A_144] : memref<16384xf32, #tpu.memory_space<hbm>> -> memref<4096xf32, #tpu.memory_space<hbm>>
      %dma_wait3A_146 = arith.constant 0 : i32
      %dma_wait3A_147 = tpu.memref_slice %arg2[%add3A_24, %dma_wait3A_146] : memref<64x16384xf32, #tpu.memory_space<hbm>> -> memref<1x16384xf32, #tpu.memory_space<hbm>>
      %dma_wait3A_148 = tpu.memref_squeeze %dma_wait3A_147 : memref<1x16384xf32, #tpu.memory_space<hbm>> -> memref<16384xf32, #tpu.memory_space<hbm>>
      %dma_wait3A_149 = arith.constant 12288 : i32
      %dma_wait3A_150 = tpu.memref_slice %dma_wait3A_148[%dma_wait3A_149] : memref<16384xf32, #tpu.memory_space<hbm>> -> memref<4096xf32, #tpu.memory_space<hbm>>
      tpu.wait_dma2 semaphore(%run_scoped3A : memref<!tpu.dma_semaphore, #tpu.memory_space<semaphore_mem>>) src(%dma_wait3A_150 : memref<4096xf32, #tpu.memory_space<hbm>>) dst(%arg16 : memref<4096xf32, #tpu.memory_space<vmem>>)
      tpu.yield
    }) : () -> ()
    %add3A_40 = arith.constant 1 : i32
    %add3A_41 = arith.addi %add3A_24, %add3A_40 : i32
    "tpu.region"() ({
      %run_scoped3A = tpu.sem_alloc : memref<!tpu.dma_semaphore, #tpu.memory_space<semaphore_mem>>
      %dma_start3A_132 = arith.constant 0 : i32
      %dma_start3A_133 = tpu.memref_slice %arg2[%add3A_41, %dma_start3A_132] : memref<64x16384xf32, #tpu.memory_space<hbm>> -> memref<1x16384xf32, #tpu.memory_space<hbm>>
      %dma_start3A_134 = tpu.memref_squeeze %dma_start3A_133 : memref<1x16384xf32, #tpu.memory_space<hbm>> -> memref<16384xf32, #tpu.memory_space<hbm>>
      %dma_start3A_135 = arith.constant 12288 : i32
      %dma_start3A_136 = tpu.memref_slice %dma_start3A_134[%dma_start3A_135] : memref<16384xf32, #tpu.memory_space<hbm>> -> memref<4096xf32, #tpu.memory_space<hbm>>
      %dma_start3A_137 = arith.constant 0 : i32
      %dma_start3A_138 = tpu.memref_slice %arg2[%add3A_41, %dma_start3A_137] : memref<64x16384xf32, #tpu.memory_space<hbm>> -> memref<1x16384xf32, #tpu.memory_space<hbm>>
      %dma_start3A_139 = tpu.memref_squeeze %dma_start3A_138 : memref<1x16384xf32, #tpu.memory_space<hbm>> -> memref<16384xf32, #tpu.memory_space<hbm>>
      %dma_start3A_140 = arith.constant 12288 : i32
      %dma_start3A_141 = tpu.memref_slice %dma_start3A_139[%dma_start3A_140] : memref<16384xf32, #tpu.memory_space<hbm>> -> memref<4096xf32, #tpu.memory_space<hbm>>
      tpu.enqueue_dma source(%dma_start3A_141 : memref<4096xf32, #tpu.memory_space<hbm>>) target(%arg17 : memref<4096xf32, #tpu.memory_space<vmem>>) target_semaphore(%run_scoped3A : memref<!tpu.dma_semaphore, #tpu.memory_space<semaphore_mem>>)
      %dma_wait3A = arith.constant 0 : i32
      %dma_wait3A_142 = tpu.memref_slice %arg2[%add3A_41, %dma_wait3A] : memref<64x16384xf32, #tpu.memory_space<hbm>> -> memref<1x16384xf32, #tpu.memory_space<hbm>>
      %dma_wait3A_143 = tpu.memref_squeeze %dma_wait3A_142 : memref<1x16384xf32, #tpu.memory_space<hbm>> -> memref<16384xf32, #tpu.memory_space<hbm>>
      %dma_wait3A_144 = arith.constant 12288 : i32
      %dma_wait3A_145 = tpu.memref_slice %dma_wait3A_143[%dma_wait3A_144] : memref<16384xf32, #tpu.memory_space<hbm>> -> memref<4096xf32, #tpu.memory_space<hbm>>
      %dma_wait3A_146 = arith.constant 0 : i32
      %dma_wait3A_147 = tpu.memref_slice %arg2[%add3A_41, %dma_wait3A_146] : memref<64x16384xf32, #tpu.memory_space<hbm>> -> memref<1x16384xf32, #tpu.memory_space<hbm>>
      %dma_wait3A_148 = tpu.memref_squeeze %dma_wait3A_147 : memref<1x16384xf32, #tpu.memory_space<hbm>> -> memref<16384xf32, #tpu.memory_space<hbm>>
      %dma_wait3A_149 = arith.constant 12288 : i32
      %dma_wait3A_150 = tpu.memref_slice %dma_wait3A_148[%dma_wait3A_149] : memref<16384xf32, #tpu.memory_space<hbm>> -> memref<4096xf32, #tpu.memory_space<hbm>>
      tpu.wait_dma2 semaphore(%run_scoped3A : memref<!tpu.dma_semaphore, #tpu.memory_space<semaphore_mem>>) src(%dma_wait3A_150 : memref<4096xf32, #tpu.memory_space<hbm>>) dst(%arg17 : memref<4096xf32, #tpu.memory_space<vmem>>)
      tpu.yield
    }) : () -> ()
    %parallel_loop3A_42 = arith.constant 0 : i32
    %parallel_loop3A_43 = arith.constant 256 : i32
    %parallel_loop3A_44 = arith.constant 1 : i32
    scf.for %parallel_loop3A_132 = %parallel_loop3A_42 to %parallel_loop3A_43 step %parallel_loop3A_44  : i32 {
      %parallel_loop3A_133 = arith.constant 16 : i32
      %parallel_loop3A_134 = arith.muli %parallel_loop3A_132, %parallel_loop3A_133 : i32
      %parallel_loop3A_135 = arith.index_cast %parallel_loop3A_134 : i32 to index
      %parallel_loop3A_136 = tpu.vector_load %arg16[%parallel_loop3A_135] {strides = array<i32>} : memref<4096xf32, #tpu.memory_space<vmem>>, vector<16xf32>,
      %parallel_loop3A_137 = arith.index_cast %parallel_loop3A_134 : i32 to index
      %parallel_loop3A_138 = tpu.vector_load %arg17[%parallel_loop3A_137] {strides = array<i32>} : memref<4096xf32, #tpu.memory_space<vmem>>, vector<16xf32>,
      %parallel_loop3A_139 = tpu.pack_subelements %parallel_loop3A_136, %parallel_loop3A_138 {pack_format = #tpu.pack_format<interleaved>, positions = array<i32: 0, 1>} : vector<16xf32>, vector<16xf32> -> vector<32xbf16>
      %parallel_loop3A_140 = vector.bitcast %parallel_loop3A_139 : vector<32xbf16> to vector<16xf32>
      %parallel_loop3A_141 = arith.constant 16 : i32
      %parallel_loop3A_142 = arith.muli %parallel_loop3A_132, %parallel_loop3A_141 : i32
      %parallel_loop3A_143 = arith.constant 12288 : i32
      %parallel_loop3A_144 = arith.addi %parallel_loop3A_143, %parallel_loop3A_142 : i32
      %parallel_loop3A_145 = arith.index_cast %parallel_loop3A_144 : i32 to index
      %parallel_loop3A_146 = tpu.vector_load %arg7[%parallel_loop3A_145] {strides = array<i32>} : memref<16384xf32, #tpu.memory_space<vmem>>, vector<16xf32>,
      tpu.vector_store %arg7[%parallel_loop3A_145], %parallel_loop3A_140 {strides = array<i32>} : memref<16384xf32, #tpu.memory_space<vmem>>, vector<16xf32>,
    } {sc.loop_unroll_factor = 4 : i64, sc.parallel_access}
    %broadcast_in_dim3A = arith.constant 0.000000e+00 : f32
    %broadcast_in_dim3A_45 = vector.broadcast %broadcast_in_dim3A : f32 to vector<16xf32>
    %parallel_loop3A_46 = arith.constant 0 : i32
    %parallel_loop3A_47 = arith.constant 1024 : i32
    %parallel_loop3A_48 = arith.constant 1 : i32
    scf.for %parallel_loop3A_132 = %parallel_loop3A_46 to %parallel_loop3A_47 step %parallel_loop3A_48  : i32 {
      %parallel_loop3A_133 = arith.constant 16 : i32
      %parallel_loop3A_134 = arith.muli %parallel_loop3A_132, %parallel_loop3A_133 : i32
      %parallel_loop3A_135 = arith.index_cast %parallel_loop3A_134 : i32 to index
      %parallel_loop3A_136 = tpu.vector_load %arg8[%parallel_loop3A_135] {strides = array<i32>} : memref<16384xf32, #tpu.memory_space<vmem>>, vector<16xf32>,
      tpu.vector_store %arg8[%parallel_loop3A_135], %broadcast_in_dim3A_45 {strides = array<i32>} : memref<16384xf32, #tpu.memory_space<vmem>>, vector<16xf32>,
      %parallel_loop3A_137 = arith.constant 16 : i32
      %parallel_loop3A_138 = arith.muli %parallel_loop3A_132, %parallel_loop3A_137 : i32
      %parallel_loop3A_139 = arith.index_cast %parallel_loop3A_138 : i32 to index
      %parallel_loop3A_140 = tpu.vector_load %arg9[%parallel_loop3A_139] {strides = array<i32>} : memref<16384xf32, #tpu.memory_space<vmem>>, vector<16xf32>,
      tpu.vector_store %arg9[%parallel_loop3A_139], %broadcast_in_dim3A_45 {strides = array<i32>} : memref<16384xf32, #tpu.memory_space<vmem>>, vector<16xf32>,
      %parallel_loop3A_141 = arith.constant 16 : i32
      %parallel_loop3A_142 = arith.muli %parallel_loop3A_132, %parallel_loop3A_141 : i32
      %parallel_loop3A_143 = arith.index_cast %parallel_loop3A_142 : i32 to index
      %parallel_loop3A_144 = tpu.vector_load %arg10[%parallel_loop3A_143] {strides = array<i32>} : memref<16384xf32, #tpu.memory_space<vmem>>, vector<16xf32>,
      tpu.vector_store %arg10[%parallel_loop3A_143], %broadcast_in_dim3A_45 {strides = array<i32>} : memref<16384xf32, #tpu.memory_space<vmem>>, vector<16xf32>,
      %parallel_loop3A_145 = arith.constant 16 : i32
      %parallel_loop3A_146 = arith.muli %parallel_loop3A_132, %parallel_loop3A_145 : i32
      %parallel_loop3A_147 = arith.index_cast %parallel_loop3A_146 : i32 to index
      %parallel_loop3A_148 = tpu.vector_load %arg11[%parallel_loop3A_147] {strides = array<i32>} : memref<16384xf32, #tpu.memory_space<vmem>>, vector<16xf32>,
      tpu.vector_store %arg11[%parallel_loop3A_147], %broadcast_in_dim3A_45 {strides = array<i32>} : memref<16384xf32, #tpu.memory_space<vmem>>, vector<16xf32>,
    } {sc.loop_unroll_factor = 1 : i64, sc.parallel_access}
    %dma_start3A = arith.constant 0 : i32
    %dma_start3A_49 = arith.constant 0 : i32
    %dma_start3A_50 = arith.constant 0 : i32
    %dma_start3A_51 = tpu.memref_slice %arg3[%dma_start3A, %dma_start3A_49, %dma_start3A_50] : memref<66x2x2048xi32, #tpu.memory_space<hbm>> -> memref<1x2x2048xi32, #tpu.memory_space<hbm>>
    %dma_start3A_52 = tpu.memref_squeeze %dma_start3A_51 : memref<1x2x2048xi32, #tpu.memory_space<hbm>> -> memref<2x2048xi32, #tpu.memory_space<hbm>>
    %dma_start3A_53 = arith.constant 0 : i32
    %dma_start3A_54 = tpu.memref_slice %dma_start3A_52[%arg0, %dma_start3A_53] : memref<2x2048xi32, #tpu.memory_space<hbm>> -> memref<1x2048xi32, #tpu.memory_space<hbm>>
    %dma_start3A_55 = tpu.memref_squeeze %dma_start3A_54 : memref<1x2048xi32, #tpu.memory_space<hbm>> -> memref<2048xi32, #tpu.memory_space<hbm>>
    %dma_start3A_56 = arith.constant 0 : i32
    %dma_start3A_57 = arith.constant 0 : i32
    %dma_start3A_58 = tpu.memref_slice %arg3[%dma_start3A, %dma_start3A_56, %dma_start3A_57] : memref<66x2x2048xi32, #tpu.memory_space<hbm>> -> memref<1x2x2048xi32, #tpu.memory_space<hbm>>
    %dma_start3A_59 = tpu.memref_squeeze %dma_start3A_58 : memref<1x2x2048xi32, #tpu.memory_space<hbm>> -> memref<2x2048xi32, #tpu.memory_space<hbm>>
    %dma_start3A_60 = arith.constant 0 : i32
    %dma_start3A_61 = tpu.memref_slice %dma_start3A_59[%arg0, %dma_start3A_60] : memref<2x2048xi32, #tpu.memory_space<hbm>> -> memref<1x2048xi32, #tpu.memory_space<hbm>>
    %dma_start3A_62 = tpu.memref_squeeze %dma_start3A_61 : memref<1x2048xi32, #tpu.memory_space<hbm>> -> memref<2048xi32, #tpu.memory_space<hbm>>
    tpu.enqueue_dma source(%dma_start3A_62 : memref<2048xi32, #tpu.memory_space<hbm>>) target(%arg12 : memref<2048xi32, #tpu.memory_space<vmem>>) target_semaphore(%arg18 : memref<!tpu.dma_semaphore, #tpu.memory_space<semaphore_mem>>)
    %dma_start3A_63 = arith.constant 0 : i32
    %dma_start3A_64 = arith.constant 0 : i32
    %dma_start3A_65 = arith.constant 0 : i32
    %dma_start3A_66 = tpu.memref_slice %arg4[%dma_start3A_63, %dma_start3A_64, %dma_start3A_65] : memref<66x2x2048xf32, #tpu.memory_space<hbm>> -> memref<1x2x2048xf32, #tpu.memory_space<hbm>>
    %dma_start3A_67 = tpu.memref_squeeze %dma_start3A_66 : memref<1x2x2048xf32, #tpu.memory_space<hbm>> -> memref<2x2048xf32, #tpu.memory_space<hbm>>
    %dma_start3A_68 = arith.constant 0 : i32
    %dma_start3A_69 = tpu.memref_slice %dma_start3A_67[%arg0, %dma_start3A_68] : memref<2x2048xf32, #tpu.memory_space<hbm>> -> memref<1x2048xf32, #tpu.memory_space<hbm>>
    %dma_start3A_70 = tpu.memref_squeeze %dma_start3A_69 : memref<1x2048xf32, #tpu.memory_space<hbm>> -> memref<2048xf32, #tpu.memory_space<hbm>>
    %dma_start3A_71 = arith.constant 0 : i32
    %dma_start3A_72 = arith.constant 0 : i32
    %dma_start3A_73 = tpu.memref_slice %arg4[%dma_start3A_63, %dma_start3A_71, %dma_start3A_72] : memref<66x2x2048xf32, #tpu.memory_space<hbm>> -> memref<1x2x2048xf32, #tpu.memory_space<hbm>>
    %dma_start3A_74 = tpu.memref_squeeze %dma_start3A_73 : memref<1x2x2048xf32, #tpu.memory_space<hbm>> -> memref<2x2048xf32, #tpu.memory_space<hbm>>
    %dma_start3A_75 = arith.constant 0 : i32
    %dma_start3A_76 = tpu.memref_slice %dma_start3A_74[%arg0, %dma_start3A_75] : memref<2x2048xf32, #tpu.memory_space<hbm>> -> memref<1x2048xf32, #tpu.memory_space<hbm>>
    %dma_start3A_77 = tpu.memref_squeeze %dma_start3A_76 : memref<1x2048xf32, #tpu.memory_space<hbm>> -> memref<2048xf32, #tpu.memory_space<hbm>>
    tpu.enqueue_dma source(%dma_start3A_77 : memref<2048xf32, #tpu.memory_space<hbm>>) target(%arg13 : memref<2048xf32, #tpu.memory_space<vmem>>) target_semaphore(%arg18 : memref<!tpu.dma_semaphore, #tpu.memory_space<semaphore_mem>>)
    %dma_start3A_78 = arith.constant 1 : i32
    %dma_start3A_79 = arith.constant 0 : i32
    %dma_start3A_80 = arith.constant 0 : i32
    %dma_start3A_81 = tpu.memref_slice %arg3[%dma_start3A_78, %dma_start3A_79, %dma_start3A_80] : memref<66x2x2048xi32, #tpu.memory_space<hbm>> -> memref<1x2x2048xi32, #tpu.memory_space<hbm>>
    %dma_start3A_82 = tpu.memref_squeeze %dma_start3A_81 : memref<1x2x2048xi32, #tpu.memory_space<hbm>> -> memref<2x2048xi32, #tpu.memory_space<hbm>>
    %dma_start3A_83 = arith.constant 0 : i32
    %dma_start3A_84 = tpu.memref_slice %dma_start3A_82[%arg0, %dma_start3A_83] : memref<2x2048xi32, #tpu.memory_space<hbm>> -> memref<1x2048xi32, #tpu.memory_space<hbm>>
    %dma_start3A_85 = tpu.memref_squeeze %dma_start3A_84 : memref<1x2048xi32, #tpu.memory_space<hbm>> -> memref<2048xi32, #tpu.memory_space<hbm>>
    %dma_start3A_86 = arith.constant 0 : i32
    %dma_start3A_87 = arith.constant 0 : i32
    %dma_start3A_88 = tpu.memref_slice %arg3[%dma_start3A_78, %dma_start3A_86, %dma_start3A_87] : memref<66x2x2048xi32, #tpu.memory_space<hbm>> -> memref<1x2x2048xi32, #tpu.memory_space<hbm>>
    %dma_start3A_89 = tpu.memref_squeeze %dma_start3A_88 : memref<1x2x2048xi32, #tpu.memory_space<hbm>> -> memref<2x2048xi32, #tpu.memory_space<hbm>>
    %dma_start3A_90 = arith.constant 0 : i32
    %dma_start3A_91 = tpu.memref_slice %dma_start3A_89[%arg0, %dma_start3A_90] : memref<2x2048xi32, #tpu.memory_space<hbm>> -> memref<1x2048xi32, #tpu.memory_space<hbm>>
    %dma_start3A_92 = tpu.memref_squeeze %dma_start3A_91 : memref<1x2048xi32, #tpu.memory_space<hbm>> -> memref<2048xi32, #tpu.memory_space<hbm>>
    tpu.enqueue_dma source(%dma_start3A_92 : memref<2048xi32, #tpu.memory_space<hbm>>) target(%arg14 : memref<2048xi32, #tpu.memory_space<vmem>>) target_semaphore(%arg19 : memref<!tpu.dma_semaphore, #tpu.memory_space<semaphore_mem>>)
    %dma_start3A_93 = arith.constant 1 : i32
    %dma_start3A_94 = arith.constant 0 : i32
    %dma_start3A_95 = arith.constant 0 : i32
    %dma_start3A_96 = tpu.memref_slice %arg4[%dma_start3A_93, %dma_start3A_94, %dma_start3A_95] : memref<66x2x2048xf32, #tpu.memory_space<hbm>> -> memref<1x2x2048xf32, #tpu.memory_space<hbm>>
    %dma_start3A_97 = tpu.memref_squeeze %dma_start3A_96 : memref<1x2x2048xf32, #tpu.memory_space<hbm>> -> memref<2x2048xf32, #tpu.memory_space<hbm>>
    %dma_start3A_98 = arith.constant 0 : i32
    %dma_start3A_99 = tpu.memref_slice %dma_start3A_97[%arg0, %dma_start3A_98] : memref<2x2048xf32, #tpu.memory_space<hbm>> -> memref<1x2048xf32, #tpu.memory_space<hbm>>
    %dma_start3A_100 = tpu.memref_squeeze %dma_start3A_99 : memref<1x2048xf32, #tpu.memory_space<hbm>> -> memref<2048xf32, #tpu.memory_space<hbm>>
    %dma_start3A_101 = arith.constant 0 : i32
    %dma_start3A_102 = arith.constant 0 : i32
    %dma_start3A_103 = tpu.memref_slice %arg4[%dma_start3A_93, %dma_start3A_101, %dma_start3A_102] : memref<66x2x2048xf32, #tpu.memory_space<hbm>> -> memref<1x2x2048xf32, #tpu.memory_space<hbm>>
    %dma_start3A_104 = tpu.memref_squeeze %dma_start3A_103 : memref<1x2x2048xf32, #tpu.memory_space<hbm>> -> memref<2x2048xf32, #tpu.memory_space<hbm>>
    %dma_start3A_105 = arith.constant 0 : i32
    %dma_start3A_106 = tpu.memref_slice %dma_start3A_104[%arg0, %dma_start3A_105] : memref<2x2048xf32, #tpu.memory_space<hbm>> -> memref<1x2048xf32, #tpu.memory_space<hbm>>
    %dma_start3A_107 = tpu.memref_squeeze %dma_start3A_106 : memref<1x2048xf32, #tpu.memory_space<hbm>> -> memref<2048xf32, #tpu.memory_space<hbm>>
    tpu.enqueue_dma source(%dma_start3A_107 : memref<2048xf32, #tpu.memory_space<hbm>>) target(%arg15 : memref<2048xf32, #tpu.memory_space<vmem>>) target_semaphore(%arg19 : memref<!tpu.dma_semaphore, #tpu.memory_space<semaphore_mem>>)
    %broadcast_in_dim3A_108 = arith.constant -65536 : i32
    %broadcast_in_dim3A_109 = vector.broadcast %broadcast_in_dim3A_108 : i32 to vector<16xi32>
    %broadcast_in_dim3A_110 = arith.constant 16383 : i32
    %broadcast_in_dim3A_111 = vector.broadcast %broadcast_in_dim3A_110 : i32 to vector<16xi32>
    %scan3A = arith.constant 0 : i32
    %scan3A_112 = arith.constant 33 : i32
    %scan3A_113 = arith.addi %scan3A, %scan3A_112 : i32
    %scan3A_114 = arith.constant 1 : i32
    scf.for %scan3A_132 = %scan3A to %scan3A_113 step %scan3A_114  : i32 {
      %mul3A_133 = arith.constant 2 : i32
      %mul3A_134 = arith.muli %scan3A_132, %mul3A_133 : i32
      %add3A_135 = arith.constant 0 : i32
      %add3A_136 = arith.addi %add3A_135, %mul3A_134 : i32
      %add3A_137 = arith.constant 0 : i32
      %add3A_138 = arith.addi %add3A_136, %add3A_137 : i32
      %dma_wait3A = arith.constant 0 : i32
      %dma_wait3A_139 = arith.constant 0 : i32
      %dma_wait3A_140 = tpu.memref_slice %arg3[%add3A_138, %dma_wait3A, %dma_wait3A_139] : memref<66x2x2048xi32, #tpu.memory_space<hbm>> -> memref<1x2x2048xi32, #tpu.memory_space<hbm>>
      %dma_wait3A_141 = tpu.memref_squeeze %dma_wait3A_140 : memref<1x2x2048xi32, #tpu.memory_space<hbm>> -> memref<2x2048xi32, #tpu.memory_space<hbm>>
      %dma_wait3A_142 = arith.constant 0 : i32
      %dma_wait3A_143 = tpu.memref_slice %dma_wait3A_141[%arg0, %dma_wait3A_142] : memref<2x2048xi32, #tpu.memory_space<hbm>> -> memref<1x2048xi32, #tpu.memory_space<hbm>>
      %dma_wait3A_144 = tpu.memref_squeeze %dma_wait3A_143 : memref<1x2048xi32, #tpu.memory_space<hbm>> -> memref<2048xi32, #tpu.memory_space<hbm>>
      %dma_wait3A_145 = arith.constant 0 : i32
      %dma_wait3A_146 = arith.constant 0 : i32
      %dma_wait3A_147 = tpu.memref_slice %arg3[%add3A_138, %dma_wait3A_145, %dma_wait3A_146] : memref<66x2x2048xi32, #tpu.memory_space<hbm>> -> memref<1x2x2048xi32, #tpu.memory_space<hbm>>
      %dma_wait3A_148 = tpu.memref_squeeze %dma_wait3A_147 : memref<1x2x2048xi32, #tpu.memory_space<hbm>> -> memref<2x2048xi32, #tpu.memory_space<hbm>>
      %dma_wait3A_149 = arith.constant 0 : i32
      %dma_wait3A_150 = tpu.memref_slice %dma_wait3A_148[%arg0, %dma_wait3A_149] : memref<2x2048xi32, #tpu.memory_space<hbm>> -> memref<1x2048xi32, #tpu.memory_space<hbm>>
      %dma_wait3A_151 = tpu.memref_squeeze %dma_wait3A_150 : memref<1x2048xi32, #tpu.memory_space<hbm>> -> memref<2048xi32, #tpu.memory_space<hbm>>
      tpu.wait_dma2 semaphore(%arg18 : memref<!tpu.dma_semaphore, #tpu.memory_space<semaphore_mem>>) src(%dma_wait3A_151 : memref<2048xi32, #tpu.memory_space<hbm>>) dst(%arg12 : memref<2048xi32, #tpu.memory_space<vmem>>)
      %dma_wait3A_152 = arith.constant 0 : i32
      %dma_wait3A_153 = arith.constant 0 : i32
      %dma_wait3A_154 = tpu.memref_slice %arg4[%add3A_138, %dma_wait3A_152, %dma_wait3A_153] : memref<66x2x2048xf32, #tpu.memory_space<hbm>> -> memref<1x2x2048xf32, #tpu.memory_space<hbm>>
      %dma_wait3A_155 = tpu.memref_squeeze %dma_wait3A_154 : memref<1x2x2048xf32, #tpu.memory_space<hbm>> -> memref<2x2048xf32, #tpu.memory_space<hbm>>
      %dma_wait3A_156 = arith.constant 0 : i32
      %dma_wait3A_157 = tpu.memref_slice %dma_wait3A_155[%arg0, %dma_wait3A_156] : memref<2x2048xf32, #tpu.memory_space<hbm>> -> memref<1x2048xf32, #tpu.memory_space<hbm>>
      %dma_wait3A_158 = tpu.memref_squeeze %dma_wait3A_157 : memref<1x2048xf32, #tpu.memory_space<hbm>> -> memref<2048xf32, #tpu.memory_space<hbm>>
      %dma_wait3A_159 = arith.constant 0 : i32
      %dma_wait3A_160 = arith.constant 0 : i32
      %dma_wait3A_161 = tpu.memref_slice %arg4[%add3A_138, %dma_wait3A_159, %dma_wait3A_160] : memref<66x2x2048xf32, #tpu.memory_space<hbm>> -> memref<1x2x2048xf32, #tpu.memory_space<hbm>>
      %dma_wait3A_162 = tpu.memref_squeeze %dma_wait3A_161 : memref<1x2x2048xf32, #tpu.memory_space<hbm>> -> memref<2x2048xf32, #tpu.memory_space<hbm>>
      %dma_wait3A_163 = arith.constant 0 : i32
      %dma_wait3A_164 = tpu.memref_slice %dma_wait3A_162[%arg0, %dma_wait3A_163] : memref<2x2048xf32, #tpu.memory_space<hbm>> -> memref<1x2048xf32, #tpu.memory_space<hbm>>
      %dma_wait3A_165 = tpu.memref_squeeze %dma_wait3A_164 : memref<1x2048xf32, #tpu.memory_space<hbm>> -> memref<2048xf32, #tpu.memory_space<hbm>>
      tpu.wait_dma2 semaphore(%arg18 : memref<!tpu.dma_semaphore, #tpu.memory_space<semaphore_mem>>) src(%dma_wait3A_165 : memref<2048xf32, #tpu.memory_space<hbm>>) dst(%arg13 : memref<2048xf32, #tpu.memory_space<vmem>>)
      %parallel_loop3A_166 = arith.constant 0 : i32
      %parallel_loop3A_167 = arith.constant 128 : i32
      %parallel_loop3A_168 = arith.constant 1 : i32
      scf.for %parallel_loop3A_213 = %parallel_loop3A_166 to %parallel_loop3A_167 step %parallel_loop3A_168  : i32 {
        %parallel_loop3A_214 = arith.constant 16 : i32
        %parallel_loop3A_215 = arith.muli %parallel_loop3A_213, %parallel_loop3A_214 : i32
        %parallel_loop3A_216 = arith.index_cast %parallel_loop3A_215 : i32 to index
        %parallel_loop3A_217 = tpu.vector_load %arg12[%parallel_loop3A_216] {strides = array<i32>} : memref<2048xi32, #tpu.memory_space<vmem>>, vector<16xi32>,
        %parallel_loop3A_218 = arith.index_cast %parallel_loop3A_215 : i32 to index
        %parallel_loop3A_219 = tpu.vector_load %arg13[%parallel_loop3A_218] {strides = array<i32>} : memref<2048xf32, #tpu.memory_space<vmem>>, vector<16xf32>,
        %parallel_loop3A_220 = arith.andi %parallel_loop3A_217, %broadcast_in_dim3A_111 : vector<16xi32>
        %parallel_loop3A_221 = arith.constant 14 : i32
        %parallel_loop3A_222 = vector.broadcast %parallel_loop3A_221 : i32 to vector<16xi32>
        %parallel_loop3A_223 = arith.shrui %parallel_loop3A_217, %parallel_loop3A_222 : vector<16xi32>
        %parallel_loop3A_224 = tpu.vector_load_idx %arg6[%parallel_loop3A_220] : memref<16384xf32, #tpu.memory_space<vmem>>[vector<16xi32>], vector<16xf32>,
        %parallel_loop3A_225 = vector.bitcast %parallel_loop3A_224 : vector<16xf32> to vector<16xi32>
        %parallel_loop3A_226 = arith.constant 16 : i32
        %parallel_loop3A_227 = vector.broadcast %parallel_loop3A_226 : i32 to vector<16xi32>
        %parallel_loop3A_228 = arith.shli %parallel_loop3A_225, %parallel_loop3A_227 : vector<16xi32>
        %parallel_loop3A_229 = vector.bitcast %parallel_loop3A_228 : vector<16xi32> to vector<16xf32>
        %parallel_loop3A_230 = arith.andi %parallel_loop3A_225, %broadcast_in_dim3A_109 : vector<16xi32>
        %parallel_loop3A_231 = vector.bitcast %parallel_loop3A_230 : vector<16xi32> to vector<16xf32>
        %parallel_loop3A_232 = arith.mulf %parallel_loop3A_229, %parallel_loop3A_219 : vector<16xf32>
        tpu.vector_store_idx %arg8[%parallel_loop3A_223], %parallel_loop3A_232 {add = true} : memref<16384xf32, #tpu.memory_space<vmem>>[vector<16xi32>], vector<16xf32>,
        %parallel_loop3A_233 = arith.mulf %parallel_loop3A_231, %parallel_loop3A_219 : vector<16xf32>
        tpu.vector_store_idx %arg9[%parallel_loop3A_223], %parallel_loop3A_233 {add = true} : memref<16384xf32, #tpu.memory_space<vmem>>[vector<16xi32>], vector<16xf32>,
        %parallel_loop3A_234 = tpu.vector_load_idx %arg7[%parallel_loop3A_220] : memref<16384xf32, #tpu.memory_space<vmem>>[vector<16xi32>], vector<16xf32>,
        %parallel_loop3A_235 = vector.bitcast %parallel_loop3A_234 : vector<16xf32> to vector<16xi32>
        %parallel_loop3A_236 = arith.constant 16 : i32
        %parallel_loop3A_237 = vector.broadcast %parallel_loop3A_236 : i32 to vector<16xi32>
        %parallel_loop3A_238 = arith.shli %parallel_loop3A_235, %parallel_loop3A_237 : vector<16xi32>
        %parallel_loop3A_239 = vector.bitcast %parallel_loop3A_238 : vector<16xi32> to vector<16xf32>
        %parallel_loop3A_240 = arith.andi %parallel_loop3A_235, %broadcast_in_dim3A_109 : vector<16xi32>
        %parallel_loop3A_241 = vector.bitcast %parallel_loop3A_240 : vector<16xi32> to vector<16xf32>
        %parallel_loop3A_242 = arith.mulf %parallel_loop3A_239, %parallel_loop3A_219 : vector<16xf32>
        tpu.vector_store_idx %arg10[%parallel_loop3A_223], %parallel_loop3A_242 {add = true} : memref<16384xf32, #tpu.memory_space<vmem>>[vector<16xi32>], vector<16xf32>,
        %parallel_loop3A_243 = arith.mulf %parallel_loop3A_241, %parallel_loop3A_219 : vector<16xf32>
        tpu.vector_store_idx %arg11[%parallel_loop3A_223], %parallel_loop3A_243 {add = true} : memref<16384xf32, #tpu.memory_space<vmem>>[vector<16xi32>], vector<16xf32>,
      } {sc.loop_unroll_factor = 4 : i64, sc.parallel_access}
      %add3A_169 = arith.constant 2 : i32
      %add3A_170 = arith.addi %add3A_138, %add3A_169 : i32
      %lt3A = arith.constant 66 : i32
      %lt3A_171 = arith.cmpi slt, %add3A_170, %lt3A : i32
      %convert_element_type3A = arith.extui %lt3A_171 : i1 to i32
      %cond3A = arith.constant 0 : i32
      %cond3A_172 = arith.cmpi ne, %convert_element_type3A, %cond3A : i32
      scf.if %cond3A_172 {
        %add3A_213 = arith.constant 2 : i32
        %add3A_214 = arith.addi %add3A_138, %add3A_213 : i32
        %dma_start3A_215 = arith.constant 0 : i32
        %dma_start3A_216 = arith.constant 0 : i32
        %dma_start3A_217 = tpu.memref_slice %arg3[%add3A_214, %dma_start3A_215, %dma_start3A_216] : memref<66x2x2048xi32, #tpu.memory_space<hbm>> -> memref<1x2x2048xi32, #tpu.memory_space<hbm>>
        %dma_start3A_218 = tpu.memref_squeeze %dma_start3A_217 : memref<1x2x2048xi32, #tpu.memory_space<hbm>> -> memref<2x2048xi32, #tpu.memory_space<hbm>>
        %dma_start3A_219 = arith.constant 0 : i32
        %dma_start3A_220 = tpu.memref_slice %dma_start3A_218[%arg0, %dma_start3A_219] : memref<2x2048xi32, #tpu.memory_space<hbm>> -> memref<1x2048xi32, #tpu.memory_space<hbm>>
        %dma_start3A_221 = tpu.memref_squeeze %dma_start3A_220 : memref<1x2048xi32, #tpu.memory_space<hbm>> -> memref<2048xi32, #tpu.memory_space<hbm>>
        %dma_start3A_222 = arith.constant 0 : i32
        %dma_start3A_223 = arith.constant 0 : i32
        %dma_start3A_224 = tpu.memref_slice %arg3[%add3A_214, %dma_start3A_222, %dma_start3A_223] : memref<66x2x2048xi32, #tpu.memory_space<hbm>> -> memref<1x2x2048xi32, #tpu.memory_space<hbm>>
        %dma_start3A_225 = tpu.memref_squeeze %dma_start3A_224 : memref<1x2x2048xi32, #tpu.memory_space<hbm>> -> memref<2x2048xi32, #tpu.memory_space<hbm>>
        %dma_start3A_226 = arith.constant 0 : i32
        %dma_start3A_227 = tpu.memref_slice %dma_start3A_225[%arg0, %dma_start3A_226] : memref<2x2048xi32, #tpu.memory_space<hbm>> -> memref<1x2048xi32, #tpu.memory_space<hbm>>
        %dma_start3A_228 = tpu.memref_squeeze %dma_start3A_227 : memref<1x2048xi32, #tpu.memory_space<hbm>> -> memref<2048xi32, #tpu.memory_space<hbm>>
        tpu.enqueue_dma source(%dma_start3A_228 : memref<2048xi32, #tpu.memory_space<hbm>>) target(%arg12 : memref<2048xi32, #tpu.memory_space<vmem>>) target_semaphore(%arg18 : memref<!tpu.dma_semaphore, #tpu.memory_space<semaphore_mem>>)
        %dma_start3A_229 = arith.constant 0 : i32
        %dma_start3A_230 = arith.constant 0 : i32
        %dma_start3A_231 = tpu.memref_slice %arg4[%add3A_214, %dma_start3A_229, %dma_start3A_230] : memref<66x2x2048xf32, #tpu.memory_space<hbm>> -> memref<1x2x2048xf32, #tpu.memory_space<hbm>>
        %dma_start3A_232 = tpu.memref_squeeze %dma_start3A_231 : memref<1x2x2048xf32, #tpu.memory_space<hbm>> -> memref<2x2048xf32, #tpu.memory_space<hbm>>
        %dma_start3A_233 = arith.constant 0 : i32
        %dma_start3A_234 = tpu.memref_slice %dma_start3A_232[%arg0, %dma_start3A_233] : memref<2x2048xf32, #tpu.memory_space<hbm>> -> memref<1x2048xf32, #tpu.memory_space<hbm>>
        %dma_start3A_235 = tpu.memref_squeeze %dma_start3A_234 : memref<1x2048xf32, #tpu.memory_space<hbm>> -> memref<2048xf32, #tpu.memory_space<hbm>>
        %dma_start3A_236 = arith.constant 0 : i32
        %dma_start3A_237 = arith.constant 0 : i32
        %dma_start3A_238 = tpu.memref_slice %arg4[%add3A_214, %dma_start3A_236, %dma_start3A_237] : memref<66x2x2048xf32, #tpu.memory_space<hbm>> -> memref<1x2x2048xf32, #tpu.memory_space<hbm>>
        %dma_start3A_239 = tpu.memref_squeeze %dma_start3A_238 : memref<1x2x2048xf32, #tpu.memory_space<hbm>> -> memref<2x2048xf32, #tpu.memory_space<hbm>>
        %dma_start3A_240 = arith.constant 0 : i32
        %dma_start3A_241 = tpu.memref_slice %dma_start3A_239[%arg0, %dma_start3A_240] : memref<2x2048xf32, #tpu.memory_space<hbm>> -> memref<1x2048xf32, #tpu.memory_space<hbm>>
        %dma_start3A_242 = tpu.memref_squeeze %dma_start3A_241 : memref<1x2048xf32, #tpu.memory_space<hbm>> -> memref<2048xf32, #tpu.memory_space<hbm>>
        tpu.enqueue_dma source(%dma_start3A_242 : memref<2048xf32, #tpu.memory_space<hbm>>) target(%arg13 : memref<2048xf32, #tpu.memory_space<vmem>>) target_semaphore(%arg18 : memref<!tpu.dma_semaphore, #tpu.memory_space<semaphore_mem>>)
      } else {
      }
      %add3A_173 = arith.constant 1 : i32
      %add3A_174 = arith.addi %add3A_136, %add3A_173 : i32
      %dma_wait3A_175 = arith.constant 0 : i32
      %dma_wait3A_176 = arith.constant 0 : i32
      %dma_wait3A_177 = tpu.memref_slice %arg3[%add3A_174, %dma_wait3A_175, %dma_wait3A_176] : memref<66x2x2048xi32, #tpu.memory_space<hbm>> -> memref<1x2x2048xi32, #tpu.memory_space<hbm>>
      %dma_wait3A_178 = tpu.memref_squeeze %dma_wait3A_177 : memref<1x2x2048xi32, #tpu.memory_space<hbm>> -> memref<2x2048xi32, #tpu.memory_space<hbm>>
      %dma_wait3A_179 = arith.constant 0 : i32
      %dma_wait3A_180 = tpu.memref_slice %dma_wait3A_178[%arg0, %dma_wait3A_179] : memref<2x2048xi32, #tpu.memory_space<hbm>> -> memref<1x2048xi32, #tpu.memory_space<hbm>>
      %dma_wait3A_181 = tpu.memref_squeeze %dma_wait3A_180 : memref<1x2048xi32, #tpu.memory_space<hbm>> -> memref<2048xi32, #tpu.memory_space<hbm>>
      %dma_wait3A_182 = arith.constant 0 : i32
      %dma_wait3A_183 = arith.constant 0 : i32
      %dma_wait3A_184 = tpu.memref_slice %arg3[%add3A_174, %dma_wait3A_182, %dma_wait3A_183] : memref<66x2x2048xi32, #tpu.memory_space<hbm>> -> memref<1x2x2048xi32, #tpu.memory_space<hbm>>
      %dma_wait3A_185 = tpu.memref_squeeze %dma_wait3A_184 : memref<1x2x2048xi32, #tpu.memory_space<hbm>> -> memref<2x2048xi32, #tpu.memory_space<hbm>>
      %dma_wait3A_186 = arith.constant 0 : i32
      %dma_wait3A_187 = tpu.memref_slice %dma_wait3A_185[%arg0, %dma_wait3A_186] : memref<2x2048xi32, #tpu.memory_space<hbm>> -> memref<1x2048xi32, #tpu.memory_space<hbm>>
      %dma_wait3A_188 = tpu.memref_squeeze %dma_wait3A_187 : memref<1x2048xi32, #tpu.memory_space<hbm>> -> memref<2048xi32, #tpu.memory_space<hbm>>
      tpu.wait_dma2 semaphore(%arg19 : memref<!tpu.dma_semaphore, #tpu.memory_space<semaphore_mem>>) src(%dma_wait3A_188 : memref<2048xi32, #tpu.memory_space<hbm>>) dst(%arg14 : memref<2048xi32, #tpu.memory_space<vmem>>)
      %dma_wait3A_189 = arith.constant 0 : i32
      %dma_wait3A_190 = arith.constant 0 : i32
      %dma_wait3A_191 = tpu.memref_slice %arg4[%add3A_174, %dma_wait3A_189, %dma_wait3A_190] : memref<66x2x2048xf32, #tpu.memory_space<hbm>> -> memref<1x2x2048xf32, #tpu.memory_space<hbm>>
      %dma_wait3A_192 = tpu.memref_squeeze %dma_wait3A_191 : memref<1x2x2048xf32, #tpu.memory_space<hbm>> -> memref<2x2048xf32, #tpu.memory_space<hbm>>
      %dma_wait3A_193 = arith.constant 0 : i32
      %dma_wait3A_194 = tpu.memref_slice %dma_wait3A_192[%arg0, %dma_wait3A_193] : memref<2x2048xf32, #tpu.memory_space<hbm>> -> memref<1x2048xf32, #tpu.memory_space<hbm>>
      %dma_wait3A_195 = tpu.memref_squeeze %dma_wait3A_194 : memref<1x2048xf32, #tpu.memory_space<hbm>> -> memref<2048xf32, #tpu.memory_space<hbm>>
      %dma_wait3A_196 = arith.constant 0 : i32
      %dma_wait3A_197 = arith.constant 0 : i32
      %dma_wait3A_198 = tpu.memref_slice %arg4[%add3A_174, %dma_wait3A_196, %dma_wait3A_197] : memref<66x2x2048xf32, #tpu.memory_space<hbm>> -> memref<1x2x2048xf32, #tpu.memory_space<hbm>>
      %dma_wait3A_199 = tpu.memref_squeeze %dma_wait3A_198 : memref<1x2x2048xf32, #tpu.memory_space<hbm>> -> memref<2x2048xf32, #tpu.memory_space<hbm>>
      %dma_wait3A_200 = arith.constant 0 : i32
      %dma_wait3A_201 = tpu.memref_slice %dma_wait3A_199[%arg0, %dma_wait3A_200] : memref<2x2048xf32, #tpu.memory_space<hbm>> -> memref<1x2048xf32, #tpu.memory_space<hbm>>
      %dma_wait3A_202 = tpu.memref_squeeze %dma_wait3A_201 : memref<1x2048xf32, #tpu.memory_space<hbm>> -> memref<2048xf32, #tpu.memory_space<hbm>>
      tpu.wait_dma2 semaphore(%arg19 : memref<!tpu.dma_semaphore, #tpu.memory_space<semaphore_mem>>) src(%dma_wait3A_202 : memref<2048xf32, #tpu.memory_space<hbm>>) dst(%arg15 : memref<2048xf32, #tpu.memory_space<vmem>>)
      %parallel_loop3A_203 = arith.constant 0 : i32
      %parallel_loop3A_204 = arith.constant 128 : i32
      %parallel_loop3A_205 = arith.constant 1 : i32
      scf.for %parallel_loop3A_213 = %parallel_loop3A_203 to %parallel_loop3A_204 step %parallel_loop3A_205  : i32 {
        %parallel_loop3A_214 = arith.constant 16 : i32
        %parallel_loop3A_215 = arith.muli %parallel_loop3A_213, %parallel_loop3A_214 : i32
        %parallel_loop3A_216 = arith.index_cast %parallel_loop3A_215 : i32 to index
        %parallel_loop3A_217 = tpu.vector_load %arg14[%parallel_loop3A_216] {strides = array<i32>} : memref<2048xi32, #tpu.memory_space<vmem>>, vector<16xi32>,
        %parallel_loop3A_218 = arith.index_cast %parallel_loop3A_215 : i32 to index
        %parallel_loop3A_219 = tpu.vector_load %arg15[%parallel_loop3A_218] {strides = array<i32>} : memref<2048xf32, #tpu.memory_space<vmem>>, vector<16xf32>,
        %parallel_loop3A_220 = arith.andi %parallel_loop3A_217, %broadcast_in_dim3A_111 : vector<16xi32>
        %parallel_loop3A_221 = arith.constant 14 : i32
        %parallel_loop3A_222 = vector.broadcast %parallel_loop3A_221 : i32 to vector<16xi32>
        %parallel_loop3A_223 = arith.shrui %parallel_loop3A_217, %parallel_loop3A_222 : vector<16xi32>
        %parallel_loop3A_224 = tpu.vector_load_idx %arg6[%parallel_loop3A_220] : memref<16384xf32, #tpu.memory_space<vmem>>[vector<16xi32>], vector<16xf32>,
        %parallel_loop3A_225 = vector.bitcast %parallel_loop3A_224 : vector<16xf32> to vector<16xi32>
        %parallel_loop3A_226 = arith.constant 16 : i32
        %parallel_loop3A_227 = vector.broadcast %parallel_loop3A_226 : i32 to vector<16xi32>
        %parallel_loop3A_228 = arith.shli %parallel_loop3A_225, %parallel_loop3A_227 : vector<16xi32>
        %parallel_loop3A_229 = vector.bitcast %parallel_loop3A_228 : vector<16xi32> to vector<16xf32>
        %parallel_loop3A_230 = arith.andi %parallel_loop3A_225, %broadcast_in_dim3A_109 : vector<16xi32>
        %parallel_loop3A_231 = vector.bitcast %parallel_loop3A_230 : vector<16xi32> to vector<16xf32>
        %parallel_loop3A_232 = arith.mulf %parallel_loop3A_229, %parallel_loop3A_219 : vector<16xf32>
        tpu.vector_store_idx %arg8[%parallel_loop3A_223], %parallel_loop3A_232 {add = true} : memref<16384xf32, #tpu.memory_space<vmem>>[vector<16xi32>], vector<16xf32>,
        %parallel_loop3A_233 = arith.mulf %parallel_loop3A_231, %parallel_loop3A_219 : vector<16xf32>
        tpu.vector_store_idx %arg9[%parallel_loop3A_223], %parallel_loop3A_233 {add = true} : memref<16384xf32, #tpu.memory_space<vmem>>[vector<16xi32>], vector<16xf32>,
        %parallel_loop3A_234 = tpu.vector_load_idx %arg7[%parallel_loop3A_220] : memref<16384xf32, #tpu.memory_space<vmem>>[vector<16xi32>], vector<16xf32>,
        %parallel_loop3A_235 = vector.bitcast %parallel_loop3A_234 : vector<16xf32> to vector<16xi32>
        %parallel_loop3A_236 = arith.constant 16 : i32
        %parallel_loop3A_237 = vector.broadcast %parallel_loop3A_236 : i32 to vector<16xi32>
        %parallel_loop3A_238 = arith.shli %parallel_loop3A_235, %parallel_loop3A_237 : vector<16xi32>
        %parallel_loop3A_239 = vector.bitcast %parallel_loop3A_238 : vector<16xi32> to vector<16xf32>
        %parallel_loop3A_240 = arith.andi %parallel_loop3A_235, %broadcast_in_dim3A_109 : vector<16xi32>
        %parallel_loop3A_241 = vector.bitcast %parallel_loop3A_240 : vector<16xi32> to vector<16xf32>
        %parallel_loop3A_242 = arith.mulf %parallel_loop3A_239, %parallel_loop3A_219 : vector<16xf32>
        tpu.vector_store_idx %arg10[%parallel_loop3A_223], %parallel_loop3A_242 {add = true} : memref<16384xf32, #tpu.memory_space<vmem>>[vector<16xi32>], vector<16xf32>,
        %parallel_loop3A_243 = arith.mulf %parallel_loop3A_241, %parallel_loop3A_219 : vector<16xf32>
        tpu.vector_store_idx %arg11[%parallel_loop3A_223], %parallel_loop3A_243 {add = true} : memref<16384xf32, #tpu.memory_space<vmem>>[vector<16xi32>], vector<16xf32>,
      } {sc.loop_unroll_factor = 4 : i64, sc.parallel_access}
      %add3A_206 = arith.constant 2 : i32
      %add3A_207 = arith.addi %add3A_174, %add3A_206 : i32
      %lt3A_208 = arith.constant 66 : i32
      %lt3A_209 = arith.cmpi slt, %add3A_207, %lt3A_208 : i32
      %convert_element_type3A_210 = arith.extui %lt3A_209 : i1 to i32
      %cond3A_211 = arith.constant 0 : i32
      %cond3A_212 = arith.cmpi ne, %convert_element_type3A_210, %cond3A_211 : i32
      scf.if %cond3A_212 {
        %add3A_213 = arith.constant 2 : i32
        %add3A_214 = arith.addi %add3A_174, %add3A_213 : i32
        %dma_start3A_215 = arith.constant 0 : i32
        %dma_start3A_216 = arith.constant 0 : i32
        %dma_start3A_217 = tpu.memref_slice %arg3[%add3A_214, %dma_start3A_215, %dma_start3A_216] : memref<66x2x2048xi32, #tpu.memory_space<hbm>> -> memref<1x2x2048xi32, #tpu.memory_space<hbm>>
        %dma_start3A_218 = tpu.memref_squeeze %dma_start3A_217 : memref<1x2x2048xi32, #tpu.memory_space<hbm>> -> memref<2x2048xi32, #tpu.memory_space<hbm>>
        %dma_start3A_219 = arith.constant 0 : i32
        %dma_start3A_220 = tpu.memref_slice %dma_start3A_218[%arg0, %dma_start3A_219] : memref<2x2048xi32, #tpu.memory_space<hbm>> -> memref<1x2048xi32, #tpu.memory_space<hbm>>
        %dma_start3A_221 = tpu.memref_squeeze %dma_start3A_220 : memref<1x2048xi32, #tpu.memory_space<hbm>> -> memref<2048xi32, #tpu.memory_space<hbm>>
        %dma_start3A_222 = arith.constant 0 : i32
        %dma_start3A_223 = arith.constant 0 : i32
        %dma_start3A_224 = tpu.memref_slice %arg3[%add3A_214, %dma_start3A_222, %dma_start3A_223] : memref<66x2x2048xi32, #tpu.memory_space<hbm>> -> memref<1x2x2048xi32, #tpu.memory_space<hbm>>
        %dma_start3A_225 = tpu.memref_squeeze %dma_start3A_224 : memref<1x2x2048xi32, #tpu.memory_space<hbm>> -> memref<2x2048xi32, #tpu.memory_space<hbm>>
        %dma_start3A_226 = arith.constant 0 : i32
        %dma_start3A_227 = tpu.memref_slice %dma_start3A_225[%arg0, %dma_start3A_226] : memref<2x2048xi32, #tpu.memory_space<hbm>> -> memref<1x2048xi32, #tpu.memory_space<hbm>>
        %dma_start3A_228 = tpu.memref_squeeze %dma_start3A_227 : memref<1x2048xi32, #tpu.memory_space<hbm>> -> memref<2048xi32, #tpu.memory_space<hbm>>
        tpu.enqueue_dma source(%dma_start3A_228 : memref<2048xi32, #tpu.memory_space<hbm>>) target(%arg14 : memref<2048xi32, #tpu.memory_space<vmem>>) target_semaphore(%arg19 : memref<!tpu.dma_semaphore, #tpu.memory_space<semaphore_mem>>)
        %dma_start3A_229 = arith.constant 0 : i32
        %dma_start3A_230 = arith.constant 0 : i32
        %dma_start3A_231 = tpu.memref_slice %arg4[%add3A_214, %dma_start3A_229, %dma_start3A_230] : memref<66x2x2048xf32, #tpu.memory_space<hbm>> -> memref<1x2x2048xf32, #tpu.memory_space<hbm>>
        %dma_start3A_232 = tpu.memref_squeeze %dma_start3A_231 : memref<1x2x2048xf32, #tpu.memory_space<hbm>> -> memref<2x2048xf32, #tpu.memory_space<hbm>>
        %dma_start3A_233 = arith.constant 0 : i32
        %dma_start3A_234 = tpu.memref_slice %dma_start3A_232[%arg0, %dma_start3A_233] : memref<2x2048xf32, #tpu.memory_space<hbm>> -> memref<1x2048xf32, #tpu.memory_space<hbm>>
        %dma_start3A_235 = tpu.memref_squeeze %dma_start3A_234 : memref<1x2048xf32, #tpu.memory_space<hbm>> -> memref<2048xf32, #tpu.memory_space<hbm>>
        %dma_start3A_236 = arith.constant 0 : i32
        %dma_start3A_237 = arith.constant 0 : i32
        %dma_start3A_238 = tpu.memref_slice %arg4[%add3A_214, %dma_start3A_236, %dma_start3A_237] : memref<66x2x2048xf32, #tpu.memory_space<hbm>> -> memref<1x2x2048xf32, #tpu.memory_space<hbm>>
        %dma_start3A_239 = tpu.memref_squeeze %dma_start3A_238 : memref<1x2x2048xf32, #tpu.memory_space<hbm>> -> memref<2x2048xf32, #tpu.memory_space<hbm>>
        %dma_start3A_240 = arith.constant 0 : i32
        %dma_start3A_241 = tpu.memref_slice %dma_start3A_239[%arg0, %dma_start3A_240] : memref<2x2048xf32, #tpu.memory_space<hbm>> -> memref<1x2048xf32, #tpu.memory_space<hbm>>
        %dma_start3A_242 = tpu.memref_squeeze %dma_start3A_241 : memref<1x2048xf32, #tpu.memory_space<hbm>> -> memref<2048xf32, #tpu.memory_space<hbm>>
        tpu.enqueue_dma source(%dma_start3A_242 : memref<2048xf32, #tpu.memory_space<hbm>>) target(%arg15 : memref<2048xf32, #tpu.memory_space<vmem>>) target_semaphore(%arg19 : memref<!tpu.dma_semaphore, #tpu.memory_space<semaphore_mem>>)
      } else {
      }
    }
    %scan3A_115 = arith.constant 33 : i32
    %mul3A_116 = arith.constant 4 : i32
    %mul3A_117 = arith.muli %arg1, %mul3A_116 : i32
    %add3A_118 = arith.constant 0 : i32
    %add3A_119 = arith.addi %mul3A_117, %add3A_118 : i32
    "tpu.region"() ({
      %run_scoped3A = tpu.sem_alloc : memref<!tpu.dma_semaphore, #tpu.memory_space<semaphore_mem>>
      %dma_start3A_132 = arith.constant 0 : i32
      %dma_start3A_133 = arith.constant 0 : i32
      %dma_start3A_134 = tpu.memref_slice %arg5[%arg0, %dma_start3A_132, %dma_start3A_133] : memref<2x64x16384xf32, #tpu.memory_space<hbm>> -> memref<1x64x16384xf32, #tpu.memory_space<hbm>>
      %dma_start3A_135 = tpu.memref_squeeze %dma_start3A_134 : memref<1x64x16384xf32, #tpu.memory_space<hbm>> -> memref<64x16384xf32, #tpu.memory_space<hbm>>
      %dma_start3A_136 = arith.constant 0 : i32
      %dma_start3A_137 = tpu.memref_slice %dma_start3A_135[%add3A_119, %dma_start3A_136] : memref<64x16384xf32, #tpu.memory_space<hbm>> -> memref<1x16384xf32, #tpu.memory_space<hbm>>
      %dma_start3A_138 = tpu.memref_squeeze %dma_start3A_137 : memref<1x16384xf32, #tpu.memory_space<hbm>> -> memref<16384xf32, #tpu.memory_space<hbm>>
      %dma_start3A_139 = arith.constant 0 : i32
      %dma_start3A_140 = arith.constant 0 : i32
      %dma_start3A_141 = tpu.memref_slice %arg5[%arg0, %dma_start3A_139, %dma_start3A_140] : memref<2x64x16384xf32, #tpu.memory_space<hbm>> -> memref<1x64x16384xf32, #tpu.memory_space<hbm>>
      %dma_start3A_142 = tpu.memref_squeeze %dma_start3A_141 : memref<1x64x16384xf32, #tpu.memory_space<hbm>> -> memref<64x16384xf32, #tpu.memory_space<hbm>>
      %dma_start3A_143 = arith.constant 0 : i32
      %dma_start3A_144 = tpu.memref_slice %dma_start3A_142[%add3A_119, %dma_start3A_143] : memref<64x16384xf32, #tpu.memory_space<hbm>> -> memref<1x16384xf32, #tpu.memory_space<hbm>>
      %dma_start3A_145 = tpu.memref_squeeze %dma_start3A_144 : memref<1x16384xf32, #tpu.memory_space<hbm>> -> memref<16384xf32, #tpu.memory_space<hbm>>
      tpu.enqueue_dma source(%arg8 : memref<16384xf32, #tpu.memory_space<vmem>>) target(%dma_start3A_145 : memref<16384xf32, #tpu.memory_space<hbm>>) target_semaphore(%run_scoped3A : memref<!tpu.dma_semaphore, #tpu.memory_space<semaphore_mem>>)
      %dma_wait3A = arith.constant 0 : i32
      %dma_wait3A_146 = arith.constant 0 : i32
      %dma_wait3A_147 = tpu.memref_slice %arg5[%arg0, %dma_wait3A, %dma_wait3A_146] : memref<2x64x16384xf32, #tpu.memory_space<hbm>> -> memref<1x64x16384xf32, #tpu.memory_space<hbm>>
      %dma_wait3A_148 = tpu.memref_squeeze %dma_wait3A_147 : memref<1x64x16384xf32, #tpu.memory_space<hbm>> -> memref<64x16384xf32, #tpu.memory_space<hbm>>
      %dma_wait3A_149 = arith.constant 0 : i32
      %dma_wait3A_150 = tpu.memref_slice %dma_wait3A_148[%add3A_119, %dma_wait3A_149] : memref<64x16384xf32, #tpu.memory_space<hbm>> -> memref<1x16384xf32, #tpu.memory_space<hbm>>
      %dma_wait3A_151 = tpu.memref_squeeze %dma_wait3A_150 : memref<1x16384xf32, #tpu.memory_space<hbm>> -> memref<16384xf32, #tpu.memory_space<hbm>>
      %dma_wait3A_152 = arith.constant 0 : i32
      %dma_wait3A_153 = arith.constant 0 : i32
      %dma_wait3A_154 = tpu.memref_slice %arg5[%arg0, %dma_wait3A_152, %dma_wait3A_153] : memref<2x64x16384xf32, #tpu.memory_space<hbm>> -> memref<1x64x16384xf32, #tpu.memory_space<hbm>>
      %dma_wait3A_155 = tpu.memref_squeeze %dma_wait3A_154 : memref<1x64x16384xf32, #tpu.memory_space<hbm>> -> memref<64x16384xf32, #tpu.memory_space<hbm>>
      %dma_wait3A_156 = arith.constant 0 : i32
      %dma_wait3A_157 = tpu.memref_slice %dma_wait3A_155[%add3A_119, %dma_wait3A_156] : memref<64x16384xf32, #tpu.memory_space<hbm>> -> memref<1x16384xf32, #tpu.memory_space<hbm>>
      %dma_wait3A_158 = tpu.memref_squeeze %dma_wait3A_157 : memref<1x16384xf32, #tpu.memory_space<hbm>> -> memref<16384xf32, #tpu.memory_space<hbm>>
      tpu.wait_dma2 semaphore(%run_scoped3A : memref<!tpu.dma_semaphore, #tpu.memory_space<semaphore_mem>>) src(%arg8 : memref<16384xf32, #tpu.memory_space<vmem>>) dst(%dma_wait3A_158 : memref<16384xf32, #tpu.memory_space<hbm>>)
      tpu.yield
    }) : () -> ()
    %mul3A_120 = arith.constant 4 : i32
    %mul3A_121 = arith.muli %arg1, %mul3A_120 : i32
    %add3A_122 = arith.constant 1 : i32
    %add3A_123 = arith.addi %mul3A_121, %add3A_122 : i32
    "tpu.region"() ({
      %run_scoped3A = tpu.sem_alloc : memref<!tpu.dma_semaphore, #tpu.memory_space<semaphore_mem>>
      %dma_start3A_132 = arith.constant 0 : i32
      %dma_start3A_133 = arith.constant 0 : i32
      %dma_start3A_134 = tpu.memref_slice %arg5[%arg0, %dma_start3A_132, %dma_start3A_133] : memref<2x64x16384xf32, #tpu.memory_space<hbm>> -> memref<1x64x16384xf32, #tpu.memory_space<hbm>>
      %dma_start3A_135 = tpu.memref_squeeze %dma_start3A_134 : memref<1x64x16384xf32, #tpu.memory_space<hbm>> -> memref<64x16384xf32, #tpu.memory_space<hbm>>
      %dma_start3A_136 = arith.constant 0 : i32
      %dma_start3A_137 = tpu.memref_slice %dma_start3A_135[%add3A_123, %dma_start3A_136] : memref<64x16384xf32, #tpu.memory_space<hbm>> -> memref<1x16384xf32, #tpu.memory_space<hbm>>
      %dma_start3A_138 = tpu.memref_squeeze %dma_start3A_137 : memref<1x16384xf32, #tpu.memory_space<hbm>> -> memref<16384xf32, #tpu.memory_space<hbm>>
      %dma_start3A_139 = arith.constant 0 : i32
      %dma_start3A_140 = arith.constant 0 : i32
      %dma_start3A_141 = tpu.memref_slice %arg5[%arg0, %dma_start3A_139, %dma_start3A_140] : memref<2x64x16384xf32, #tpu.memory_space<hbm>> -> memref<1x64x16384xf32, #tpu.memory_space<hbm>>
      %dma_start3A_142 = tpu.memref_squeeze %dma_start3A_141 : memref<1x64x16384xf32, #tpu.memory_space<hbm>> -> memref<64x16384xf32, #tpu.memory_space<hbm>>
      %dma_start3A_143 = arith.constant 0 : i32
      %dma_start3A_144 = tpu.memref_slice %dma_start3A_142[%add3A_123, %dma_start3A_143] : memref<64x16384xf32, #tpu.memory_space<hbm>> -> memref<1x16384xf32, #tpu.memory_space<hbm>>
      %dma_start3A_145 = tpu.memref_squeeze %dma_start3A_144 : memref<1x16384xf32, #tpu.memory_space<hbm>> -> memref<16384xf32, #tpu.memory_space<hbm>>
      tpu.enqueue_dma source(%arg9 : memref<16384xf32, #tpu.memory_space<vmem>>) target(%dma_start3A_145 : memref<16384xf32, #tpu.memory_space<hbm>>) target_semaphore(%run_scoped3A : memref<!tpu.dma_semaphore, #tpu.memory_space<semaphore_mem>>)
      %dma_wait3A = arith.constant 0 : i32
      %dma_wait3A_146 = arith.constant 0 : i32
      %dma_wait3A_147 = tpu.memref_slice %arg5[%arg0, %dma_wait3A, %dma_wait3A_146] : memref<2x64x16384xf32, #tpu.memory_space<hbm>> -> memref<1x64x16384xf32, #tpu.memory_space<hbm>>
      %dma_wait3A_148 = tpu.memref_squeeze %dma_wait3A_147 : memref<1x64x16384xf32, #tpu.memory_space<hbm>> -> memref<64x16384xf32, #tpu.memory_space<hbm>>
      %dma_wait3A_149 = arith.constant 0 : i32
      %dma_wait3A_150 = tpu.memref_slice %dma_wait3A_148[%add3A_123, %dma_wait3A_149] : memref<64x16384xf32, #tpu.memory_space<hbm>> -> memref<1x16384xf32, #tpu.memory_space<hbm>>
      %dma_wait3A_151 = tpu.memref_squeeze %dma_wait3A_150 : memref<1x16384xf32, #tpu.memory_space<hbm>> -> memref<16384xf32, #tpu.memory_space<hbm>>
      %dma_wait3A_152 = arith.constant 0 : i32
      %dma_wait3A_153 = arith.constant 0 : i32
      %dma_wait3A_154 = tpu.memref_slice %arg5[%arg0, %dma_wait3A_152, %dma_wait3A_153] : memref<2x64x16384xf32, #tpu.memory_space<hbm>> -> memref<1x64x16384xf32, #tpu.memory_space<hbm>>
      %dma_wait3A_155 = tpu.memref_squeeze %dma_wait3A_154 : memref<1x64x16384xf32, #tpu.memory_space<hbm>> -> memref<64x16384xf32, #tpu.memory_space<hbm>>
      %dma_wait3A_156 = arith.constant 0 : i32
      %dma_wait3A_157 = tpu.memref_slice %dma_wait3A_155[%add3A_123, %dma_wait3A_156] : memref<64x16384xf32, #tpu.memory_space<hbm>> -> memref<1x16384xf32, #tpu.memory_space<hbm>>
      %dma_wait3A_158 = tpu.memref_squeeze %dma_wait3A_157 : memref<1x16384xf32, #tpu.memory_space<hbm>> -> memref<16384xf32, #tpu.memory_space<hbm>>
      tpu.wait_dma2 semaphore(%run_scoped3A : memref<!tpu.dma_semaphore, #tpu.memory_space<semaphore_mem>>) src(%arg9 : memref<16384xf32, #tpu.memory_space<vmem>>) dst(%dma_wait3A_158 : memref<16384xf32, #tpu.memory_space<hbm>>)
      tpu.yield
    }) : () -> ()
    %mul3A_124 = arith.constant 4 : i32
    %mul3A_125 = arith.muli %arg1, %mul3A_124 : i32
    %add3A_126 = arith.constant 2 : i32
    %add3A_127 = arith.addi %mul3A_125, %add3A_126 : i32
    "tpu.region"() ({
      %run_scoped3A = tpu.sem_alloc : memref<!tpu.dma_semaphore, #tpu.memory_space<semaphore_mem>>
      %dma_start3A_132 = arith.constant 0 : i32
      %dma_start3A_133 = arith.constant 0 : i32
      %dma_start3A_134 = tpu.memref_slice %arg5[%arg0, %dma_start3A_132, %dma_start3A_133] : memref<2x64x16384xf32, #tpu.memory_space<hbm>> -> memref<1x64x16384xf32, #tpu.memory_space<hbm>>
      %dma_start3A_135 = tpu.memref_squeeze %dma_start3A_134 : memref<1x64x16384xf32, #tpu.memory_space<hbm>> -> memref<64x16384xf32, #tpu.memory_space<hbm>>
      %dma_start3A_136 = arith.constant 0 : i32
      %dma_start3A_137 = tpu.memref_slice %dma_start3A_135[%add3A_127, %dma_start3A_136] : memref<64x16384xf32, #tpu.memory_space<hbm>> -> memref<1x16384xf32, #tpu.memory_space<hbm>>
      %dma_start3A_138 = tpu.memref_squeeze %dma_start3A_137 : memref<1x16384xf32, #tpu.memory_space<hbm>> -> memref<16384xf32, #tpu.memory_space<hbm>>
      %dma_start3A_139 = arith.constant 0 : i32
      %dma_start3A_140 = arith.constant 0 : i32
      %dma_start3A_141 = tpu.memref_slice %arg5[%arg0, %dma_start3A_139, %dma_start3A_140] : memref<2x64x16384xf32, #tpu.memory_space<hbm>> -> memref<1x64x16384xf32, #tpu.memory_space<hbm>>
      %dma_start3A_142 = tpu.memref_squeeze %dma_start3A_141 : memref<1x64x16384xf32, #tpu.memory_space<hbm>> -> memref<64x16384xf32, #tpu.memory_space<hbm>>
      %dma_start3A_143 = arith.constant 0 : i32
      %dma_start3A_144 = tpu.memref_slice %dma_start3A_142[%add3A_127, %dma_start3A_143] : memref<64x16384xf32, #tpu.memory_space<hbm>> -> memref<1x16384xf32, #tpu.memory_space<hbm>>
      %dma_start3A_145 = tpu.memref_squeeze %dma_start3A_144 : memref<1x16384xf32, #tpu.memory_space<hbm>> -> memref<16384xf32, #tpu.memory_space<hbm>>
      tpu.enqueue_dma source(%arg10 : memref<16384xf32, #tpu.memory_space<vmem>>) target(%dma_start3A_145 : memref<16384xf32, #tpu.memory_space<hbm>>) target_semaphore(%run_scoped3A : memref<!tpu.dma_semaphore, #tpu.memory_space<semaphore_mem>>)
      %dma_wait3A = arith.constant 0 : i32
      %dma_wait3A_146 = arith.constant 0 : i32
      %dma_wait3A_147 = tpu.memref_slice %arg5[%arg0, %dma_wait3A, %dma_wait3A_146] : memref<2x64x16384xf32, #tpu.memory_space<hbm>> -> memref<1x64x16384xf32, #tpu.memory_space<hbm>>
      %dma_wait3A_148 = tpu.memref_squeeze %dma_wait3A_147 : memref<1x64x16384xf32, #tpu.memory_space<hbm>> -> memref<64x16384xf32, #tpu.memory_space<hbm>>
      %dma_wait3A_149 = arith.constant 0 : i32
      %dma_wait3A_150 = tpu.memref_slice %dma_wait3A_148[%add3A_127, %dma_wait3A_149] : memref<64x16384xf32, #tpu.memory_space<hbm>> -> memref<1x16384xf32, #tpu.memory_space<hbm>>
      %dma_wait3A_151 = tpu.memref_squeeze %dma_wait3A_150 : memref<1x16384xf32, #tpu.memory_space<hbm>> -> memref<16384xf32, #tpu.memory_space<hbm>>
      %dma_wait3A_152 = arith.constant 0 : i32
      %dma_wait3A_153 = arith.constant 0 : i32
      %dma_wait3A_154 = tpu.memref_slice %arg5[%arg0, %dma_wait3A_152, %dma_wait3A_153] : memref<2x64x16384xf32, #tpu.memory_space<hbm>> -> memref<1x64x16384xf32, #tpu.memory_space<hbm>>
      %dma_wait3A_155 = tpu.memref_squeeze %dma_wait3A_154 : memref<1x64x16384xf32, #tpu.memory_space<hbm>> -> memref<64x16384xf32, #tpu.memory_space<hbm>>
      %dma_wait3A_156 = arith.constant 0 : i32
      %dma_wait3A_157 = tpu.memref_slice %dma_wait3A_155[%add3A_127, %dma_wait3A_156] : memref<64x16384xf32, #tpu.memory_space<hbm>> -> memref<1x16384xf32, #tpu.memory_space<hbm>>
      %dma_wait3A_158 = tpu.memref_squeeze %dma_wait3A_157 : memref<1x16384xf32, #tpu.memory_space<hbm>> -> memref<16384xf32, #tpu.memory_space<hbm>>
      tpu.wait_dma2 semaphore(%run_scoped3A : memref<!tpu.dma_semaphore, #tpu.memory_space<semaphore_mem>>) src(%arg10 : memref<16384xf32, #tpu.memory_space<vmem>>) dst(%dma_wait3A_158 : memref<16384xf32, #tpu.memory_space<hbm>>)
      tpu.yield
    }) : () -> ()
    %mul3A_128 = arith.constant 4 : i32
    %mul3A_129 = arith.muli %arg1, %mul3A_128 : i32
    %add3A_130 = arith.constant 3 : i32
    %add3A_131 = arith.addi %mul3A_129, %add3A_130 : i32
    "tpu.region"() ({
      %run_scoped3A = tpu.sem_alloc : memref<!tpu.dma_semaphore, #tpu.memory_space<semaphore_mem>>
      %dma_start3A_132 = arith.constant 0 : i32
      %dma_start3A_133 = arith.constant 0 : i32
      %dma_start3A_134 = tpu.memref_slice %arg5[%arg0, %dma_start3A_132, %dma_start3A_133] : memref<2x64x16384xf32, #tpu.memory_space<hbm>> -> memref<1x64x16384xf32, #tpu.memory_space<hbm>>
      %dma_start3A_135 = tpu.memref_squeeze %dma_start3A_134 : memref<1x64x16384xf32, #tpu.memory_space<hbm>> -> memref<64x16384xf32, #tpu.memory_space<hbm>>
      %dma_start3A_136 = arith.constant 0 : i32
      %dma_start3A_137 = tpu.memref_slice %dma_start3A_135[%add3A_131, %dma_start3A_136] : memref<64x16384xf32, #tpu.memory_space<hbm>> -> memref<1x16384xf32, #tpu.memory_space<hbm>>
      %dma_start3A_138 = tpu.memref_squeeze %dma_start3A_137 : memref<1x16384xf32, #tpu.memory_space<hbm>> -> memref<16384xf32, #tpu.memory_space<hbm>>
      %dma_start3A_139 = arith.constant 0 : i32
      %dma_start3A_140 = arith.constant 0 : i32
      %dma_start3A_141 = tpu.memref_slice %arg5[%arg0, %dma_start3A_139, %dma_start3A_140] : memref<2x64x16384xf32, #tpu.memory_space<hbm>> -> memref<1x64x16384xf32, #tpu.memory_space<hbm>>
      %dma_start3A_142 = tpu.memref_squeeze %dma_start3A_141 : memref<1x64x16384xf32, #tpu.memory_space<hbm>> -> memref<64x16384xf32, #tpu.memory_space<hbm>>
      %dma_start3A_143 = arith.constant 0 : i32
      %dma_start3A_144 = tpu.memref_slice %dma_start3A_142[%add3A_131, %dma_start3A_143] : memref<64x16384xf32, #tpu.memory_space<hbm>> -> memref<1x16384xf32, #tpu.memory_space<hbm>>
      %dma_start3A_145 = tpu.memref_squeeze %dma_start3A_144 : memref<1x16384xf32, #tpu.memory_space<hbm>> -> memref<16384xf32, #tpu.memory_space<hbm>>
      tpu.enqueue_dma source(%arg11 : memref<16384xf32, #tpu.memory_space<vmem>>) target(%dma_start3A_145 : memref<16384xf32, #tpu.memory_space<hbm>>) target_semaphore(%run_scoped3A : memref<!tpu.dma_semaphore, #tpu.memory_space<semaphore_mem>>)
      %dma_wait3A = arith.constant 0 : i32
      %dma_wait3A_146 = arith.constant 0 : i32
      %dma_wait3A_147 = tpu.memref_slice %arg5[%arg0, %dma_wait3A, %dma_wait3A_146] : memref<2x64x16384xf32, #tpu.memory_space<hbm>> -> memref<1x64x16384xf32, #tpu.memory_space<hbm>>
      %dma_wait3A_148 = tpu.memref_squeeze %dma_wait3A_147 : memref<1x64x16384xf32, #tpu.memory_space<hbm>> -> memref<64x16384xf32, #tpu.memory_space<hbm>>
      %dma_wait3A_149 = arith.constant 0 : i32
      %dma_wait3A_150 = tpu.memref_slice %dma_wait3A_148[%add3A_131, %dma_wait3A_149] : memref<64x16384xf32, #tpu.memory_space<hbm>> -> memref<1x16384xf32, #tpu.memory_space<hbm>>
      %dma_wait3A_151 = tpu.memref_squeeze %dma_wait3A_150 : memref<1x16384xf32, #tpu.memory_space<hbm>> -> memref<16384xf32, #tpu.memory_space<hbm>>
      %dma_wait3A_152 = arith.constant 0 : i32
      %dma_wait3A_153 = arith.constant 0 : i32
      %dma_wait3A_154 = tpu.memref_slice %arg5[%arg0, %dma_wait3A_152, %dma_wait3A_153] : memref<2x64x16384xf32, #tpu.memory_space<hbm>> -> memref<1x64x16384xf32, #tpu.memory_space<hbm>>
      %dma_wait3A_155 = tpu.memref_squeeze %dma_wait3A_154 : memref<1x64x16384xf32, #tpu.memory_space<hbm>> -> memref<64x16384xf32, #tpu.memory_space<hbm>>
      %dma_wait3A_156 = arith.constant 0 : i32
      %dma_wait3A_157 = tpu.memref_slice %dma_wait3A_155[%add3A_131, %dma_wait3A_156] : memref<64x16384xf32, #tpu.memory_space<hbm>> -> memref<1x16384xf32, #tpu.memory_space<hbm>>
      %dma_wait3A_158 = tpu.memref_squeeze %dma_wait3A_157 : memref<1x16384xf32, #tpu.memory_space<hbm>> -> memref<16384xf32, #tpu.memory_space<hbm>>
      tpu.wait_dma2 semaphore(%run_scoped3A : memref<!tpu.dma_semaphore, #tpu.memory_space<semaphore_mem>>) src(%arg11 : memref<16384xf32, #tpu.memory_space<vmem>>) dst(%dma_wait3A_158 : memref<16384xf32, #tpu.memory_space<hbm>>)
      tpu.yield
    }) : () -> ()
    return
  }
}

module attributes {stable_mosaic.version = 14 : i64} {
  func.func @body(%arg0: i32, %arg1: memref<2x64x2048xf32, #tpu.memory_space<vmem>>, %arg2: memref<64x2048xf32, #tpu.memory_space<vmem>>) attributes {dimension_semantics = [#tpu.dimension_semantics<arbitrary>], iteration_bounds = array<i64: 8>, scalar_prefetch = 0 : i64, scratch_operands = 0 : i64, tpu.core_type = #tpu.core_type<tc>, window_params = [{transform_indices = @transform_0, window_bounds = array<i64: 2, 64, 2048>}, {transform_indices = @transform_1, window_bounds = array<i64: 64, 2048>}]} {
    %get3A = arith.constant 0 : index
    %get3A_0 = arith.constant 0 : index
    %get3A_1 = arith.constant 0 : index
    %get3A_2 = vector.load %arg1[%get3A, %get3A_0, %get3A_1] : memref<2x64x2048xf32, #tpu.memory_space<vmem>>, vector<1x64x2048xf32>
    %get3A_3 = vector.shape_cast %get3A_2 : vector<1x64x2048xf32> to vector<64x2048xf32>
    %get3A_4 = arith.constant 1 : index
    %get3A_5 = arith.constant 0 : index
    %get3A_6 = arith.constant 0 : index
    %get3A_7 = vector.load %arg1[%get3A_4, %get3A_5, %get3A_6] : memref<2x64x2048xf32, #tpu.memory_space<vmem>>, vector<1x64x2048xf32>
    %get3A_8 = vector.shape_cast %get3A_7 : vector<1x64x2048xf32> to vector<64x2048xf32>
    %add3A = arith.addf %get3A_3, %get3A_8 : vector<64x2048xf32>
    %swap3A = arith.constant 0 : index
    %swap3A_9 = arith.constant 0 : index
    %swap3A_10 = vector.load %arg2[%swap3A, %swap3A_9] : memref<64x2048xf32, #tpu.memory_space<vmem>>, vector<64x2048xf32>
    tpu.vector_store %arg2[%swap3A, %swap3A_9], %add3A {strides = array<i32>} : memref<64x2048xf32, #tpu.memory_space<vmem>>, vector<64x2048xf32>,
    return
  }
  func.func @transform_0(%arg0: i32) -> (i32, i32, i32) {
    %c0_i32 = arith.constant 0 : i32
    %c0_i32_0 = arith.constant 0 : i32
    %c0_i32_1 = arith.constant 0 : i32
    return %c0_i32, %c0_i32_0, %arg0 : i32, i32, i32
  }
  func.func @transform_1(%arg0: i32) -> (i32, i32) {
    %c0_i32 = arith.constant 0 : i32
    %c0_i32_0 = arith.constant 0 : i32
    return %c0_i32, %arg0 : i32, i32
  }
}

</mosaic_0001>

<sc_bundles>
// kernel: kernel.4.cloned.1.call-start
scs
__scs_entry_jumppad:
0x0: {  	(pc) =	sbr.rel $0x88, $3  }
0x1: {  	(tag) =	ssettag $0x0;
	lr =	simm.s32 $0x1  }
0x2: {  	[smem:$0x3F9D] =	sst lr;
	_ =	strace $0xD0000000  }
0x3: {  	_ = 	snop  }
0x4: {  	_ = 	snop  }
0x5: {  	_ = 	snop  }
0x6: {  	_ = 	snop  }
0x7: {  	_ = 	snop  }
__scs_overlays_trampoline_lowered:
0x8: {  	[smem:$0x3FAC] =	sst s0  }
0x9: {  	[smem:$0x3FAD] =	sst s1  }
0xa: {  	[smem:$0x3FAE] =	sst s2  }
0xb: {  	[smem:$0x3FAF] =	sst s3  }
0xc: {  	[smem:$0x3FB0] =	sst s4  }
0xd: {  	[smem:$0x3FB1] =	sst s5  }
0xe: {  	[smem:$0x3FB2] =	sst s6  }
0xf: {  	[smem:$0x3FB3] =	sst s7  }
0x10: {  	[smem:$0x3FB4] =	sst s8  }
0x11: {  	[smem:$0x3FB5] =	sst s9;
	s0 =	simm.s32 @!p0 $0x0  }
0x12: {  	s1 =	sld [smem:$0x3F9B];
	s0 =	simm.s32 @p0 $0x1  }
0x13: {  	[smem:$0x3FB6] =	sst s0;
	s0 =	simm.s32 @!p1 $0x0  }
0x14: {  	s2 =	sld [smem:$0x3F9A];
	s0 =	simm.s32 @p1 $0x1  }
0x15: {  	[smem:$0x3FB7] =	sst s0;
	s0 =	simm.s32 @!p2 $0x0  }
0x16: {  	s3 =	sld [smem:$0x3FDB];
	s0 =	simm.s32 @p2 $0x1  }
0x17: {  	s4 =	simm.s32 $0x1BF5;
	[smem:$0x3FB9] =	sst s0  }
0x18: {  	s0 =	sld [smem:$0x3F9C];
	_ =	swait.ge [sflag:s4], $0x0  }
0x19: {  	s7 =	sld [smem:$0x3F9D]  }
0x1a: {  	s8 =	sadd.s32 $0xFFFFE003, lr  }
0x1b: {  	s9 =	sadd.s32 $0xFFFFFEF7, lr;
	s5 =	simm.s32 $0xFFFFFFFF;
	p2 =	slt.u32 s8, $0xFFFFF086  }
0x1c: {  	p1 =	slt.u32 s9, $0xF7A;
	s5 =	simm.s32 @!p2 $0x0  }
0x1d: {  	s5 =	simm.s32 @p1 $0x1;
	p0 =	seq.s32 s7, s2  }
0x1e: {  	s7 =	smul.u32 @!p0 $0xF7A, s2;
	p2 =	seq.s32 @!p0 s5, $0x0  }
0x1f: {  	s9 =	smul.u32 $0xF7A, s1;
	s8 =	simm.s32 @!p0 $0x1BF5;
	p2 =	por !p2, p0  }
0x20: {  	[sflag:s8] =	ssyncset.s32 @!p0 $0xFFFFF086;
	s6 =	sadd.s32 @!p0 s3, s7;
	s7 =	simm.s32 @!p0 $0x108  }
0x21: {  	s3 =	sadd.s32 s3, s9;
	s6 =	sadd.s32 @!p0 $0x88, s6;
	s7 =	simm.s32 @p2 $0x1082  }
0x22: {  	[simem:s7], [sflag:s8] =	dma.local @!p0 [hbm:s6], $0xF7A  }
0x23: {  	s9 =	sor.u32 $0xD0000000, s2;
	s6 =	simm.s32 $0x108;
	_ =	swait.ge @!p0 [sflag:s8], $0x0  }
0x24: {  	s3 =	sadd.s32 $0x88, s3;
	s6 =	simm.s32 @!p1 $0x1082;
	[sflag:s4] =	ssyncset.s32 $0xFFFFF086  }
0x25: {  	[simem:s6], [sflag:s4] =	dma.local [hbm:s3], $0xF7A  }
0x26: {  	[smem:$0x3F9D] =	sst s1;
	(tag) =	ssettag s2;
	_ =	strace s9  }
0x27: {  	s1 =	sld [smem:$0x3FAD]  }
0x28: {  	s2 =	sld [smem:$0x3FAE]  }
0x29: {  	s4 =	sld [smem:$0x3FB0]  }
0x2a: {  	p0 =	seq.s32 s5, $0x0;
	s5 =	sld [smem:$0x3FB1]  }
0x2b: {  	s6 =	sld [smem:$0x3FB2]  }
0x2c: {  	s7 =	sld [smem:$0x3FB3]  }
0x2d: {  	s3 =	simm.s32 $0x108;
	s8 =	sld [smem:$0x3FB4]  }
0x2e: {  	s3 =	simm.s32 @!p0 $0x1082;
	s9 =	sld [smem:$0x3FB5]  }
0x2f: {  	lr =	sadd.s32 s0, s3;
	s0 =	sld [smem:$0x3FAC]  }
0x30: {  	s3 =	sld [smem:$0x3FAF]  }
0x31: {  	[smem:$0x3FB8] =	sst s10  }
0x32: {  	s10 =	sld [smem:$0x3FB6];
	_ =	sdelay $0x3  }
0x33: {  	p0 =	seq.s32 s10, $0x1;
	s10 =	sld [smem:$0x3FB8];
	_ =	sdelay $0x3  }
0x34: {  	[smem:$0x3FB8] =	sst s10  }
0x35: {  	s10 =	sld [smem:$0x3FB7];
	_ =	sdelay $0x3  }
0x36: {  	p1 =	seq.s32 s10, $0x1;
	s10 =	sld [smem:$0x3FB8];
	_ =	sdelay $0x3  }
0x37: {  	[smem:$0x3FB8] =	sst s10  }
0x38: {  	s10 =	sld [smem:$0x3FB9]  }
0x39: {  	_ = 	snop;
	(pc) =	sbr.ind lr, $3  }
0x3a: {  	_ = 	snop  }
0x3b: {  	_ = 	snop  }
0x3c: {  	p2 =	seq.s32 s10, $0x1;
	s10 =	sld [smem:$0x3FB8]  }
0x3d: {  	_ =	shalt  }
0x3e: {  	_ =	shalt  }
0x3f: {  	_ =	shalt  }
0x40: {  	_ =	shalt  }
0x41: {  	_ =	shalt  }
0x42: {  	_ =	shalt  }
0x43: {  	_ =	shalt  }
0x44: {  	_ =	shalt  }
0x45: {  	_ =	shalt  }
0x46: {  	_ =	shalt  }
0x47: {  	_ =	shalt  }
0x48: {  	_ =	shalt  }
0x49: {  	_ =	shalt  }
0x4a: {  	_ =	shalt  }
0x4b: {  	_ =	shalt  }
0x4c: {  	_ =	shalt  }
0x4d: {  	_ =	shalt  }
0x4e: {  	_ =	shalt  }
0x4f: {  	_ =	shalt  }
0x50: {  	_ =	shalt  }
0x51: {  	_ =	shalt  }
0x52: {  	_ =	shalt  }
0x53: {  	_ =	shalt  }
0x54: {  	_ =	shalt  }
0x55: {  	_ =	shalt  }
0x56: {  	_ =	shalt  }
0x57: {  	_ =	shalt  }
0x58: {  	_ =	shalt  }
0x59: {  	_ =	shalt  }
0x5a: {  	_ =	shalt  }
0x5b: {  	_ =	shalt  }
0x5c: {  	_ =	shalt  }
0x5d: {  	_ =	shalt  }
0x5e: {  	_ =	shalt  }
0x5f: {  	_ =	shalt  }
0x60: {  	_ =	shalt  }
0x61: {  	_ =	shalt  }
0x62: {  	_ =	shalt  }
0x63: {  	_ =	shalt  }
0x64: {  	_ =	shalt  }
0x65: {  	_ =	shalt  }
0x66: {  	_ =	shalt  }
0x67: {  	_ =	shalt  }
0x68: {  	_ =	shalt  }
0x69: {  	_ =	shalt  }
0x6a: {  	_ =	shalt  }
0x6b: {  	_ =	shalt  }
0x6c: {  	_ =	shalt  }
0x6d: {  	_ =	shalt  }
0x6e: {  	_ =	shalt  }
0x6f: {  	_ =	shalt  }
0x70: {  	_ =	shalt  }
0x71: {  	_ =	shalt  }
0x72: {  	_ =	shalt  }
0x73: {  	_ =	shalt  }
0x74: {  	_ =	shalt  }
0x75: {  	_ =	shalt  }
0x76: {  	_ =	shalt  }
0x77: {  	_ =	shalt  }
0x78: {  	_ =	shalt  }
0x79: {  	_ =	shalt  }
0x7a: {  	_ =	shalt  }
0x7b: {  	_ =	shalt  }
0x7c: {  	_ =	shalt  }
0x7d: {  	_ =	shalt  }
0x7e: {  	_ =	shalt  }
0x7f: {  	_ =	shalt  }
0x80: {  	_ =	shalt  }
0x81: {  	_ =	shalt  }
0x82: {  	_ =	shalt  }
0x83: {  	_ =	shalt  }
0x84: {  	_ =	shalt  }
0x85: {  	_ =	shalt  }
0x86: {  	_ =	shalt  }
0x87: {  	_ =	shalt  }
.Lfunc_end0:
.L_simem_size_0:
called_computation_lowered:
.L_overlay_start_0:
0x88: {  	s2 =	sld [smem:$0x3FD9]  }
0x89: {  	s3 =	sld [smem:$0x3FFE];
	_ =	sdelay $0x1  }
0x8a: {  	s1 =	srdreg.scid  }
0x8b: {  	s0 =	sand.u32 $0x1, s1  }
0x8c: {  	s17 =	sshll.u32 s0, $0xA;
	s2 =	sadd.s32 s3, s2  }
0x8d: {  	s2 =	sadd.s32 s2, s17  }
0x8e: {  	[smem:$0x3FC4] =	sst s2  }
0x8f: {  	_ = 	snop  }
0x90: {  	s2 =	sld [smem:$0x3FC9]  }
0x91: {  	s18 =	sld [smem:$0x3FD0];
	(tm) =	ssettm $0x1  }
0x92: {  	s4 =	sld [smem:$0x3FFB];
	_ =	sdelay $0x3  }
0x93: {  	_ =	strace s4  }
0x94: {  	s4 =	sld [smem:$0x3FFC];
	_ =	sdelay $0x3  }
0x95: {  	_ =	strace s4  }
0x96: {  	s4 =	sld [smem:$0x3FFD];
	_ =	sdelay $0x3  }
0x97: {  	_ =	strace s4  }
0x98: {  	_ =	strace $0x8FFFFFFF  }
0x99: {  	s19 =	sld [smem:$0x3FDB];
	_ =	sdelay $0x1  }
0x9a: {  	s5 =	simm.s32 $_scs_section_size  }
0x9b: {  	s6 =	simm.s32 $_size__tile_overlayer_lowered;
	s7 =	simm.s32 $_tile_overlayer_lowered  }
0x9c: {  	s22 =	simm.s32 $0x1BFF;
	s21 =	sshll.u32 s7, $0x1;
	s4 =	sadd.s32 s5, s19  }
0x9d: {  	s8 =	simm.s32 $0x0;
	s20 =	sshll.u32 s6, $0x1;
	s6 =	sadd.s32 s21, s4  }
0x9e: {  	[timem:s8], [sflag:s22] =	dma.local [hbm:s6], s20  }
0x9f: {  	_ =	swait.ge [sflag:s22], s20  }
0xa0: {  	s5 =	ssub.s32 $0x0, s20;
	[sflag:s22] =	ssyncset.done $0x0  }
0xa1: {  	[sflag:s22] =	ssyncadd.s32 s5;
	_ =	sdelay $0x1  }
0xa2: {  	s23 =	simm.s32 $0x1B8B  }
0xa3: {  	_ =	swait.ge [sflag:s23], $0x1  }
0xa4: {  	[sflag:s23] =	ssyncset.done $0x0  }
0xa5: {  	s25 =	simm.s32 $0x1B8E;
	s24 =	sld [smem:$0x3FFE];
	[sflag:s23] =	ssyncadd.s32 $0xFFFFFFFF  }
0xa6: {  	s26 =	simm.s32 $execute0_lowered;
	[smem:$0x3FD2] =	sst s25  }
0xa7: {  	s6 =	sshll.u32 s26, $0x1;
	_ =	strace $0x80000046;
	[dreg:$0x1] =	wrdreg $0xFFFFFFFF  }
0xa8: {  	s28 =	simm.s32 $_size_execute0_lowered;
	s4 =	sadd.s32 s4, s6;
	[dreg:$0x0] =	wrdreg $0x0  }
0xa9: {  	s6 =	sshll.u32 s28, $0x1;
	[dreg:$0x2] =	wrdreg s4  }
0xaa: {  	[dreg:$0x3] =	wrdreg s6  }
0xab: {  	[dreg:$0x4] =	wrdreg $0xC0  }
0xac: {  	_ =	task [dreg:s8], $0x5FFFF  }
0xad: {  	[dreg:$0x1] =	wrdreg $0xFFFFFFFF  }
0xae: {  	[dreg:$0x0] =	wrdreg $0x60  }
0xaf: {  	[dreg:$0x2] =	wrdreg s2  }
0xb0: {  	[dreg:$0x3] =	wrdreg s18  }
0xb1: {  	[dreg:$0x4] =	wrdreg s24  }
0xb2: {  	[dreg:$0x5] =	wrdreg $0x9  }
0xb3: {  	_ =	task.clear_ibuf [dreg:s8], $0x6FFFF;
	_ =	strace $0x90000046  }
0xb4: {  	s29 =	simm.s32 $0x9;
	_ =	strace $0x80000048  }
0xb5: {  	_ =	swait.ge [sflag:s29], $0x1  }
0xb6: {  	[sflag:s29] =	ssyncadd.s32 $0xFFFFFFFF  }
0xb7: {  	_ =	strace $0x90000048  }
0xb8: {  	_ =	sfence  }
0xb9: {  	s30 =	sld [smem:$0x0];
	_ =	sdelay $0x2  }
0xba: {  	s31 =	sshll.u32 s1, $0xD;
	s1 =	sshrl.u32 s1, $0x2  }
0xbb: {  	s3 =	sand.u32 $0x4000, s31;
	s1 =	sadd.s32 s1, s30  }
0xbc: {  	s0 =	sor.u32 s3, s0;
	s1 =	sshll.u32 s1, $0x11  }
0xbd: {  	s0 =	sor.u32 s1, s0  }
0xbe: {  	s0 =	sadd.s32 $0x8F2B, s0  }
0xbf: {  	[sflag:s0] =	ssyncadd.remote.s32 $0x1  }
0xc0: {  	_ =	sfence.sel $0xFFFF  }
0xc1: {  	[dreg:$0x0] =	wrdreg $0xFFFFFFFF;
	(pc) =	sbr.abs _section_cstart, $3  }
0xc2: {  	[dreg:$0x1] =	wrdreg $0xFFFFFFFF  }
0xc3: {  	_ =	task.clear_ibuf [dreg:s8], $0x2FFFF;
	_ =	strace $0x9FFFFFFF  }
0xc4: {  	(tm) =	ssettm $0x7FFFFFFF  }
0xc5: {  	_ =	shalt  }
tec
execute0_lowered:
.L_overlay_start_1:
0x0: {  	(tag) =	ssettag $0x1  }
0x1: {  	s0 =	rddreg [dreg:$0x0]  }
0x2: {  	s1 =	rddreg [dreg:$0x1]  }
0x3: {  	s2 =	rddreg [dreg:$0x2];
	s3 =	simm.s32 $0x0;
	s4 =	srdreg.scid  }
0x4: {  	s6 =	stileid.u32;
	s28 =	simm.s32 $0x1B000;
	s29 =	simm.s32 $0x100  }
0x5: {  	s30 =	simm.s32 $0x1;
	s31 =	simm.s32 $0x8000;
	[smem:$0x7FF] =	sst s3  }
0x6: {  	s7 =	sand.u32 $0x1, s4;
	s5 =	sshll.u32 s6, $0x6;
	s6 =	sshll.u32 s6, $0xD  }
0x7: {  	s4 =	sadd.s32 $0x800, s2;
	s24 =	sadd.s32 $0x200, s1;
	_ =	strace $0x80000047  }
0x8: {  	s8 =	sshll.u32 s7, $0x11;
	s5 =	sor.u32 s5, s6;
	s17 =	ssub.s32 $0x2, s7  }
0x9: {  	s15 =	sshll.u32 s7, $0x4;
	s9 =	sadd.s32 s8, s2;
	s5 =	sand.u32 $0x1C040, s5  }
0xa: {  	s10 =	sshrl.u32 s17, $0x1;
	s22 =	sadd.s32 s1, s15;
	s23 =	sadd.s32 s4, s15  }
0xb: {  	s2 =	sadd.s32 $0xA00, s2;
	s18 =	sadd.s32 s0, s5;
	[dreg:$0x4] =	wrdreg s5  }
0xc: {  	s11 =	sor.u32 $0x10, s5;
	s10 =	ssub.s32 s17, s10;
	[dreg:$0xc] =	wrdreg s22  }
0xd: {  	s21 =	sor.u32 $0x20, s5;
	s5 =	sor.u32 $0x30, s5;
	[dreg:$0xd] =	wrdreg s23  }
0xe: {  	s22 =	simm.s32 $0x400;
	s23 =	simm.s32 $0x1A000;
	[dreg:$0x6] =	wrdreg s11  }
0xf: {  	s26 =	sadd.s32 s15, s2;
	s2 =	simm.s32 $0x19800;
	[dreg:$0x5] =	wrdreg s18  }
0x10: {  	s17 =	simm.s32 $0x14000;
	s8 =	sadd.s32 s0, s11;
	[dreg:$0xa] =	wrdreg s21  }
0x11: {  	s19 =	sadd.s32 $0x1000, s18;
	s20 =	sadd.s32 $0x2000, s18;
	[dreg:$0xb] =	wrdreg s5  }
0x12: {  	s6 =	sadd.s32 $0x3000, s18;
	s13 =	sadd.s32 s0, s21;
	[dreg:$0x10] =	wrdreg s26  }
0x13: {  	s16 =	sadd.s32 s0, s5;
	s25 =	smax.u32 s10, $0x1;
	[dreg:$0x7] =	wrdreg s19  }
.Ltmp0:
0x14: {  	s21 =	simm.s32 $0x80;
	[dreg:$0x8] =	wrdreg s20;
	(pc) =	sbr.rel .LBB2_1-.Ltmp0, $4  }
0x15: {  	s0 =	sadd.s32 s15, s24;
	s26 =	simm.s32 $0x3;
	[dreg:$0x9] =	wrdreg s6  }
0x16: {  	s10 =	simm.s32 $0x4000;
	s11 =	simm.s32 $0x10000;
	[dreg:$0xe] =	wrdreg s25  }
0x17: {  	s18 =	simm.s32 $0x2;
	s19 =	sadd.s32 $0x8C00, s9;
	[dreg:$0xf] =	wrdreg s0  }
0x18: {  	v0 =	vimm.f32 $0.0e+00;
	s0 =	simm.s32 $0x19000;
	s9 =	simm.s32 $0xC000;
	s20 =	simm.s32 $0x0  }
.LBB2_26:
0x19: {  	s5 =	rddreg [dreg:$0x4]  }
0x1a: {  	s5 =	sadd.s32 s5, s19  }
0x1b: {  	[hbm4b:s5+s21] =	stream.strided.scatter [tilespmem:s31], [sflag:$0x3], $0x4000, s22, s21, $0x38;
	[tilespmem:$0x1C000] =	vst v63  }
0x1c: {  	_ =	swait.ge [sflag:s26], $0x4000  }
0x1d: {  	[sflag:s26] =	ssyncset.done $0x0;
	s12 =	rddreg [dreg:$0x6]  }
0x1e: {  	[sflag:s26] =	ssyncadd.s32 $0xFFFFC000;
	s5 =	sadd.s32 s12, s19  }
0x1f: {  	[hbm4b:s5+s21] =	stream.strided.scatter [tilespmem:s9], [sflag:$0x3], $0x4000, s22, s21, $0x38;
	[tilespmem:$0x1C000] =	vst v63  }
0x20: {  	_ =	swait.ge [sflag:s26], $0x4000  }
0x21: {  	[sflag:s26] =	ssyncset.done $0x0;
	s14 =	rddreg [dreg:$0xa]  }
0x22: {  	[sflag:s26] =	ssyncadd.s32 $0xFFFFC000;
	s5 =	sadd.s32 s14, s19  }
0x23: {  	[hbm4b:s5+s21] =	stream.strided.scatter [tilespmem:s11], [sflag:$0x3], $0x4000, s22, s21, $0x38;
	[tilespmem:$0x1C000] =	vst v63  }
0x24: {  	_ =	swait.ge [sflag:s26], $0x4000  }
0x25: {  	[sflag:s26] =	ssyncset.done $0x0;
	s24 =	rddreg [dreg:$0xb]  }
0x26: {  	[sflag:s26] =	ssyncadd.s32 $0xFFFFC000;
	s5 =	sadd.s32 s24, s19  }
0x27: {  	[hbm4b:s5+s21] =	stream.strided.scatter [tilespmem:s17], [sflag:$0x3], $0x4000, s22, s21, $0x38;
	[tilespmem:$0x1C000] =	vst v63  }
0x28: {  	_ =	swait.ge [sflag:s26], $0x4000  }
0x29: {  	s20 =	sadd.s32 $0x1, s20;
	s25 =	rddreg [dreg:$0xe]  }
0x2a: {  	p0 =	sne.s32 s20, s25  }
.Ltmp1:
0x2b: {  	_ = 	snop;
	(pc) =	sbr.rel @!p0 .LBB2_27-.Ltmp1, $3  }
0x2c: {  	_ =	sdelay $0x1  }
0x2d: {  	[sflag:s26] =	ssyncset.done $0x0  }
0x2e: {  	[sflag:s26] =	ssyncadd.s32 $0xFFFFC000  }
.LBB2_1:
0x2f: {  	s5 =	rddreg [dreg:$0x5]  }
0x30: {  	[tilespmem:s23], [sflag:$0x3] =	stream.strided.gather [hbm4b:s5+s21], $0x1000, s22, s21, $0x38;
	[tilespmem:$0x1C000] =	vst v63  }
0x31: {  	_ =	swait.ge [sflag:s26], $0x1000  }
0x32: {  	[sflag:s26] =	ssyncset.done $0x0  }
0x33: {  	[sflag:s26] =	ssyncadd.s32 $0xFFFFF000  }
0x34: {  	[tilespmem:s28], [sflag:$0x3] =	stream.strided.gather [hbm4b:s8+s21], $0x1000, s22, s21, $0x38;
	[tilespmem:$0x1C000] =	vst v63  }
0x35: {  	_ =	swait.ge [sflag:s26], $0x1000  }
0x36: {  	[sflag:s26] =	ssyncset.done $0x0  }
0x37: {  	s24 =	simm.s32 $0x1A020;
	[sflag:s26] =	ssyncadd.s32 $0xFFFFF000  }
0x38: {  	s7 =	simm.s32 $0x1B020;
	v6 =	vld [tilespmem:s24+$0x10]  }
0x39: {  	v7 =	vld [tilespmem:s7+$0x10]  }
0x3a: {  	v3 =	vld [tilespmem:s7+$0xFFFFFFE0]  }
0x3b: {  	v1 =	vld [tilespmem:s24+$0xFFFFFFF0]  }
0x3c: {  	v4 =	vld [tilespmem:s7+$0xFFFFFFF0]  }
0x3d: {  	v2 =	vld [tilespmem:s24+$0x0]  }
0x3e: {  	s12 =	simm.s32 $0x20;
	v5 =	vld [tilespmem:s7+$0x0];
	v7 =	vpack.i.f32.bf16 v7, v6  }
0x3f: {  	s14 =	simm.s32 $0x0;
	v6 =	vld [tilespmem:s24+$0xFFFFFFE0];
	s24 =	simm.s32 $0x1A060;
	[tilespmem:s12+$0x10] =	vst v7  }
.LBB2_2:
0x40: {  	v7 =	vld [tilespmem:s24+$0x10];
	s7 =	sadd.s32 $0x40, s7  }
0x41: {  	s14 =	sadd.s32 $0x4, s14;
	v8 =	vld [tilespmem:s7+$0x10];
	v1 =	vpack.i.f32.bf16 v4, v1  }
0x42: {  	p0 =	slt.u32 s14, $0xFC;
	v9 =	vld [tilespmem:s7+$0xFFFFFFE0];
	[tilespmem:s12+$0xFFFFFFF0] =	vst v1  }
.Ltmp2:
0x43: {  	v1 =	vld [tilespmem:s24+$0xFFFFFFF0];
	v2 =	vpack.i.f32.bf16 v5, v2;
	(pc) =	sbr.rel @p0 .LBB2_2-.Ltmp2, $4  }
0x44: {  	v4 =	vld [tilespmem:s7+$0xFFFFFFF0];
	v3 =	vpack.i.f32.bf16 v3, v6;
	[tilespmem:s12+$0x0] =	vst v2  }
0x45: {  	v2 =	vld [tilespmem:s24+$0x0];
	[tilespmem:s12+$0xFFFFFFE0] =	vst v3  }
0x46: {  	s12 =	sadd.s32 $0x40, s12;
	v5 =	vld [tilespmem:s7+$0x0];
	v7 =	vpack.i.f32.bf16 v8, v7  }
0x47: {  	v6 =	vld [tilespmem:s24+$0xFFFFFFE0];
	[tilespmem:s12+$0x10] =	vst v7;
	s24 =	sadd.s32 $0x40, s24;
	v3 =	vmov v9  }
0x48: {  	_ =	sdelay $0x1  }
0x49: {  	v1 =	vpack.i.f32.bf16 v4, v1  }
0x4a: {  	[tilespmem:s12+$0xFFFFFFF0] =	vst v1;
	v1 =	vpack.i.f32.bf16 v5, v2  }
0x4b: {  	v2 =	vpack.i.f32.bf16 v3, v6;
	[tilespmem:s12+$0x0] =	vst v1  }
0x4c: {  	[tilespmem:s12+$0xFFFFFFE0] =	vst v2  }
0x4d: {  	s5 =	rddreg [dreg:$0x7]  }
0x4e: {  	[tilespmem:s23], [sflag:$0x3] =	stream.strided.gather [hbm4b:s5+s21], $0x1000, s22, s21, $0x38;
	[tilespmem:$0x1C000] =	vst v63  }
0x4f: {  	_ =	swait.ge [sflag:s26], $0x1000  }
0x50: {  	[sflag:s26] =	ssyncset.done $0x0  }
0x51: {  	s7 =	sadd.s32 $0x1000, s8;
	[sflag:s26] =	ssyncadd.s32 $0xFFFFF000  }
0x52: {  	[tilespmem:s28], [sflag:$0x3] =	stream.strided.gather [hbm4b:s7+s21], $0x1000, s22, s21, $0x38;
	[tilespmem:$0x1C000] =	vst v63  }
0x53: {  	_ =	swait.ge [sflag:s26], $0x1000  }
0x54: {  	[sflag:s26] =	ssyncset.done $0x0  }
0x55: {  	s24 =	simm.s32 $0x1A020;
	[sflag:s26] =	ssyncadd.s32 $0xFFFFF000  }
0x56: {  	s25 =	simm.s32 $0x1B020;
	v1 =	vld [tilespmem:s24+$0x10]  }
0x57: {  	v2 =	vld [tilespmem:s25+$0x10]  }
0x58: {  	v4 =	vld [tilespmem:s25+$0xFFFFFFE0]  }
0x59: {  	v3 =	vld [tilespmem:s24+$0xFFFFFFF0]  }
0x5a: {  	v5 =	vld [tilespmem:s25+$0xFFFFFFF0]  }
0x5b: {  	v6 =	vld [tilespmem:s24+$0x0]  }
0x5c: {  	v7 =	vld [tilespmem:s25+$0x0]  }
0x5d: {  	s7 =	simm.s32 $0x1B060;
	v8 =	vld [tilespmem:s24+$0xFFFFFFE0]  }
0x5e: {  	s25 =	simm.s32 $0x1A060;
	v10 =	vld [tilespmem:s7+$0x10]  }
0x5f: {  	v9 =	vld [tilespmem:s25+$0x10]  }
0x60: {  	s14 =	simm.s32 $0x1030;
	v1 =	vpack.i.f32.bf16 v2, v1;
	v2 =	vld [tilespmem:s7+$0xFFFFFFE0]  }
0x61: {  	v3 =	vpack.i.f32.bf16 v5, v3;
	[tilespmem:s14+$0x0] =	vst v1;
	v1 =	vld [tilespmem:s25+$0xFFFFFFF0]  }
0x62: {  	s12 =	simm.s32 $0x0;
	v5 =	vpack.i.f32.bf16 v7, v6;
	[tilespmem:s14+$0xFFFFFFE0] =	vst v3;
	v3 =	vld [tilespmem:s7+$0xFFFFFFF0]  }
0x63: {  	s24 =	sand.u32 $0xFC0, s12;
	v6 =	vpack.i.f32.bf16 v4, v8;
	v4 =	vld [tilespmem:s25+$0x0];
	[tilespmem:s14+$0xFFFFFFF0] =	vst v5  }
0x64: {  	[tilespmem:s24+$0x1000] =	vst v6;
	v5 =	vld [tilespmem:s7+$0x0];
	v7 =	vpack.i.f32.bf16 v10, v9;
	s14 =	simm.s32 $0x1070  }
0x65: {  	s24 =	simm.s32 $0x4;
	v6 =	vld [tilespmem:s25+$0xFFFFFFE0];
	s25 =	simm.s32 $0x1A0A0;
	[tilespmem:s14+$0x0] =	vst v7  }
.LBB2_4:
0x66: {  	v7 =	vld [tilespmem:s25+$0x10];
	s7 =	sadd.s32 $0x40, s7  }
0x67: {  	s24 =	sadd.s32 $0x4, s24;
	v8 =	vld [tilespmem:s7+$0x10];
	v1 =	vpack.i.f32.bf16 v3, v1  }
0x68: {  	p0 =	slt.u32 s24, $0xFC;
	v9 =	vld [tilespmem:s7+$0xFFFFFFE0];
	[tilespmem:s14+$0xFFFFFFE0] =	vst v1  }
.Ltmp3:
0x69: {  	s12 =	sadd.s32 $0x40, s12;
	v1 =	vld [tilespmem:s25+$0xFFFFFFF0];
	v4 =	vpack.i.f32.bf16 v5, v4;
	(pc) =	sbr.rel @p0 .LBB2_4-.Ltmp3, $4  }
0x6a: {  	s6 =	sand.u32 $0xFC0, s12;
	v3 =	vld [tilespmem:s7+$0xFFFFFFF0];
	v2 =	vpack.i.f32.bf16 v2, v6;
	[tilespmem:s14+$0xFFFFFFF0] =	vst v4  }
0x6b: {  	v4 =	vld [tilespmem:s25+$0x0];
	[tilespmem:s6+$0x1000] =	vst v2  }
0x6c: {  	s14 =	sadd.s32 $0x40, s14;
	v5 =	vld [tilespmem:s7+$0x0];
	v7 =	vpack.i.f32.bf16 v8, v7  }
0x6d: {  	v6 =	vld [tilespmem:s25+$0xFFFFFFE0];
	[tilespmem:s14+$0x0] =	vst v7;
	s25 =	sadd.s32 $0x40, s25;
	v2 =	vmov v9  }
0x6e: {  	_ =	sdelay $0x1  }
0x6f: {  	v1 =	vpack.i.f32.bf16 v3, v1  }
0x70: {  	s6 =	sadd.s32 $0x40, s12;
	[tilespmem:s14+$0xFFFFFFE0] =	vst v1;
	v1 =	vpack.i.f32.bf16 v5, v4  }
0x71: {  	s6 =	sand.u32 $0xFC0, s6;
	v2 =	vpack.i.f32.bf16 v2, v6;
	[tilespmem:s14+$0xFFFFFFF0] =	vst v1  }
0x72: {  	[tilespmem:s6+$0x1000] =	vst v2  }
0x73: {  	s5 =	rddreg [dreg:$0x8]  }
0x74: {  	[tilespmem:s23], [sflag:$0x3] =	stream.strided.gather [hbm4b:s5+s21], $0x1000, s22, s21, $0x38;
	[tilespmem:$0x1C000] =	vst v63  }
0x75: {  	_ =	swait.ge [sflag:s26], $0x1000  }
0x76: {  	[sflag:s26] =	ssyncset.done $0x0  }
0x77: {  	s24 =	sadd.s32 $0x2000, s8;
	[sflag:s26] =	ssyncadd.s32 $0xFFFFF000  }
0x78: {  	[tilespmem:s28], [sflag:$0x3] =	stream.strided.gather [hbm4b:s24+s21], $0x1000, s22, s21, $0x38;
	[tilespmem:$0x1C000] =	vst v63  }
0x79: {  	_ =	swait.ge [sflag:s26], $0x1000  }
0x7a: {  	[sflag:s26] =	ssyncset.done $0x0  }
0x7b: {  	s25 =	simm.s32 $0x1A020;
	[sflag:s26] =	ssyncadd.s32 $0xFFFFF000  }
0x7c: {  	s7 =	simm.s32 $0x1B020;
	v1 =	vld [tilespmem:s25+$0x10]  }
0x7d: {  	v2 =	vld [tilespmem:s7+$0x10]  }
0x7e: {  	v4 =	vld [tilespmem:s7+$0xFFFFFFE0]  }
0x7f: {  	v3 =	vld [tilespmem:s25+$0xFFFFFFF0]  }
0x80: {  	v5 =	vld [tilespmem:s7+$0xFFFFFFF0]  }
0x81: {  	v6 =	vld [tilespmem:s25+$0x0]  }
0x82: {  	v7 =	vld [tilespmem:s7+$0x0]  }
0x83: {  	s5 =	simm.s32 $0x1A060;
	v8 =	vld [tilespmem:s25+$0xFFFFFFE0]  }
0x84: {  	v9 =	vld [tilespmem:s5+$0x10];
	s7 =	simm.s32 $0x1B060  }
0x85: {  	v10 =	vld [tilespmem:s7+$0x10]  }
0x86: {  	s25 =	simm.s32 $0x2030;
	v1 =	vpack.i.f32.bf16 v2, v1;
	v2 =	vld [tilespmem:s7+$0xFFFFFFE0]  }
0x87: {  	v3 =	vpack.i.f32.bf16 v5, v3;
	[tilespmem:s25+$0x0] =	vst v1;
	v1 =	vld [tilespmem:s5+$0xFFFFFFF0]  }
0x88: {  	s12 =	simm.s32 $0x0;
	v5 =	vpack.i.f32.bf16 v7, v6;
	[tilespmem:s25+$0xFFFFFFE0] =	vst v3;
	v3 =	vld [tilespmem:s7+$0xFFFFFFF0]  }
0x89: {  	s24 =	sand.u32 $0xFC0, s12;
	v6 =	vpack.i.f32.bf16 v4, v8;
	v4 =	vld [tilespmem:s5+$0x0];
	[tilespmem:s25+$0xFFFFFFF0] =	vst v5  }
0x8a: {  	s14 =	simm.s32 $0x2070;
	[tilespmem:s24+$0x2000] =	vst v6;
	v5 =	vld [tilespmem:s7+$0x0];
	v7 =	vpack.i.f32.bf16 v10, v9  }
0x8b: {  	s24 =	simm.s32 $0x4;
	v6 =	vld [tilespmem:s5+$0xFFFFFFE0];
	s25 =	simm.s32 $0x1A0A0;
	[tilespmem:s14+$0x0] =	vst v7  }
.LBB2_6:
0x8c: {  	v7 =	vld [tilespmem:s25+$0x10];
	s7 =	sadd.s32 $0x40, s7  }
0x8d: {  	s24 =	sadd.s32 $0x4, s24;
	v8 =	vld [tilespmem:s7+$0x10];
	v1 =	vpack.i.f32.bf16 v3, v1  }
0x8e: {  	p0 =	slt.u32 s24, $0xFC;
	v9 =	vld [tilespmem:s7+$0xFFFFFFE0];
	[tilespmem:s14+$0xFFFFFFE0] =	vst v1  }
.Ltmp4:
0x8f: {  	s12 =	sadd.s32 $0x40, s12;
	v1 =	vld [tilespmem:s25+$0xFFFFFFF0];
	v4 =	vpack.i.f32.bf16 v5, v4;
	(pc) =	sbr.rel @p0 .LBB2_6-.Ltmp4, $4  }
0x90: {  	s6 =	sand.u32 $0xFC0, s12;
	v3 =	vld [tilespmem:s7+$0xFFFFFFF0];
	v2 =	vpack.i.f32.bf16 v2, v6;
	[tilespmem:s14+$0xFFFFFFF0] =	vst v4  }
0x91: {  	v4 =	vld [tilespmem:s25+$0x0];
	[tilespmem:s6+$0x2000] =	vst v2  }
0x92: {  	s14 =	sadd.s32 $0x40, s14;
	v5 =	vld [tilespmem:s7+$0x0];
	v7 =	vpack.i.f32.bf16 v8, v7  }
0x93: {  	v6 =	vld [tilespmem:s25+$0xFFFFFFE0];
	[tilespmem:s14+$0x0] =	vst v7;
	s25 =	sadd.s32 $0x40, s25;
	v2 =	vmov v9  }
0x94: {  	_ =	sdelay $0x1  }
0x95: {  	v1 =	vpack.i.f32.bf16 v3, v1  }
0x96: {  	s6 =	sadd.s32 $0x40, s12;
	[tilespmem:s14+$0xFFFFFFE0] =	vst v1;
	v1 =	vpack.i.f32.bf16 v5, v4  }
0x97: {  	s6 =	sand.u32 $0xFC0, s6;
	v2 =	vpack.i.f32.bf16 v2, v6;
	[tilespmem:s14+$0xFFFFFFF0] =	vst v1  }
0x98: {  	[tilespmem:s6+$0x2000] =	vst v2  }
0x99: {  	s5 =	rddreg [dreg:$0x9]  }
0x9a: {  	[tilespmem:s23], [sflag:$0x3] =	stream.strided.gather [hbm4b:s5+s21], $0x1000, s22, s21, $0x38;
	[tilespmem:$0x1C000] =	vst v63  }
0x9b: {  	_ =	swait.ge [sflag:s26], $0x1000  }
0x9c: {  	[sflag:s26] =	ssyncset.done $0x0  }
0x9d: {  	s24 =	sadd.s32 $0x3000, s8;
	[sflag:s26] =	ssyncadd.s32 $0xFFFFF000  }
0x9e: {  	[tilespmem:s28], [sflag:$0x3] =	stream.strided.gather [hbm4b:s24+s21], $0x1000, s22, s21, $0x38;
	[tilespmem:$0x1C000] =	vst v63  }
0x9f: {  	_ =	swait.ge [sflag:s26], $0x1000  }
0xa0: {  	[sflag:s26] =	ssyncset.done $0x0  }
0xa1: {  	s25 =	simm.s32 $0x1A020;
	[sflag:s26] =	ssyncadd.s32 $0xFFFFF000  }
0xa2: {  	s7 =	simm.s32 $0x1B020;
	v1 =	vld [tilespmem:s25+$0x10]  }
0xa3: {  	v2 =	vld [tilespmem:s7+$0x10]  }
0xa4: {  	v4 =	vld [tilespmem:s7+$0xFFFFFFE0]  }
0xa5: {  	v3 =	vld [tilespmem:s25+$0xFFFFFFF0]  }
0xa6: {  	v5 =	vld [tilespmem:s7+$0xFFFFFFF0]  }
0xa7: {  	v6 =	vld [tilespmem:s25+$0x0]  }
0xa8: {  	v7 =	vld [tilespmem:s7+$0x0]  }
0xa9: {  	s5 =	simm.s32 $0x1A060;
	v8 =	vld [tilespmem:s25+$0xFFFFFFE0]  }
0xaa: {  	v9 =	vld [tilespmem:s5+$0x10];
	s7 =	simm.s32 $0x1B060  }
0xab: {  	v10 =	vld [tilespmem:s7+$0x10]  }
0xac: {  	s25 =	simm.s32 $0x3030;
	v1 =	vpack.i.f32.bf16 v2, v1;
	v2 =	vld [tilespmem:s7+$0xFFFFFFE0]  }
0xad: {  	v3 =	vpack.i.f32.bf16 v5, v3;
	[tilespmem:s25+$0x0] =	vst v1;
	v1 =	vld [tilespmem:s5+$0xFFFFFFF0]  }
0xae: {  	s12 =	simm.s32 $0x0;
	v5 =	vpack.i.f32.bf16 v7, v6;
	[tilespmem:s25+$0xFFFFFFE0] =	vst v3;
	v3 =	vld [tilespmem:s7+$0xFFFFFFF0]  }
0xaf: {  	s24 =	sand.u32 $0xFC0, s12;
	v6 =	vpack.i.f32.bf16 v4, v8;
	v4 =	vld [tilespmem:s5+$0x0];
	[tilespmem:s25+$0xFFFFFFF0] =	vst v5  }
0xb0: {  	s14 =	simm.s32 $0x3070;
	[tilespmem:s24+$0x3000] =	vst v6;
	v5 =	vld [tilespmem:s7+$0x0];
	v7 =	vpack.i.f32.bf16 v10, v9  }
0xb1: {  	s24 =	simm.s32 $0x4;
	v6 =	vld [tilespmem:s5+$0xFFFFFFE0];
	s25 =	simm.s32 $0x1A0A0;
	[tilespmem:s14+$0x0] =	vst v7  }
.LBB2_8:
0xb2: {  	v7 =	vld [tilespmem:s25+$0x10];
	s7 =	sadd.s32 $0x40, s7  }
0xb3: {  	s24 =	sadd.s32 $0x4, s24;
	v8 =	vld [tilespmem:s7+$0x10];
	v1 =	vpack.i.f32.bf16 v3, v1  }
0xb4: {  	p0 =	slt.u32 s24, $0xFC;
	v9 =	vld [tilespmem:s7+$0xFFFFFFE0];
	[tilespmem:s14+$0xFFFFFFE0] =	vst v1  }
.Ltmp5:
0xb5: {  	s12 =	sadd.s32 $0x40, s12;
	v1 =	vld [tilespmem:s25+$0xFFFFFFF0];
	v4 =	vpack.i.f32.bf16 v5, v4;
	(pc) =	sbr.rel @p0 .LBB2_8-.Ltmp5, $4  }
0xb6: {  	s6 =	sand.u32 $0xFC0, s12;
	v3 =	vld [tilespmem:s7+$0xFFFFFFF0];
	v2 =	vpack.i.f32.bf16 v2, v6;
	[tilespmem:s14+$0xFFFFFFF0] =	vst v4  }
0xb7: {  	v4 =	vld [tilespmem:s25+$0x0];
	[tilespmem:s6+$0x3000] =	vst v2  }
0xb8: {  	s14 =	sadd.s32 $0x40, s14;
	v5 =	vld [tilespmem:s7+$0x0];
	v7 =	vpack.i.f32.bf16 v8, v7  }
0xb9: {  	v6 =	vld [tilespmem:s25+$0xFFFFFFE0];
	[tilespmem:s14+$0x0] =	vst v7;
	s25 =	sadd.s32 $0x40, s25;
	v2 =	vmov v9  }
0xba: {  	_ =	sdelay $0x1  }
0xbb: {  	v1 =	vpack.i.f32.bf16 v3, v1  }
0xbc: {  	s6 =	sadd.s32 $0x40, s12;
	[tilespmem:s14+$0xFFFFFFE0] =	vst v1;
	v1 =	vpack.i.f32.bf16 v5, v4  }
0xbd: {  	s6 =	sand.u32 $0xFC0, s6;
	v2 =	vpack.i.f32.bf16 v2, v6;
	[tilespmem:s14+$0xFFFFFFF0] =	vst v1  }
0xbe: {  	[tilespmem:s6+$0x3000] =	vst v2  }
0xbf: {  	[tilespmem:s23], [sflag:$0x3] =	stream.strided.gather [hbm4b:s13+s21], $0x1000, s22, s21, $0x38;
	[tilespmem:$0x1C000] =	vst v63  }
0xc0: {  	_ =	swait.ge [sflag:s26], $0x1000  }
0xc1: {  	[sflag:s26] =	ssyncset.done $0x0  }
0xc2: {  	[sflag:s26] =	ssyncadd.s32 $0xFFFFF000  }
0xc3: {  	[tilespmem:s28], [sflag:$0x3] =	stream.strided.gather [hbm4b:s16+s21], $0x1000, s22, s21, $0x38;
	[tilespmem:$0x1C000] =	vst v63  }
0xc4: {  	_ =	swait.ge [sflag:s26], $0x1000  }
0xc5: {  	[sflag:s26] =	ssyncset.done $0x0  }
0xc6: {  	s25 =	simm.s32 $0x1A020;
	[sflag:s26] =	ssyncadd.s32 $0xFFFFF000  }
0xc7: {  	s7 =	simm.s32 $0x1B020;
	v6 =	vld [tilespmem:s25+$0x10]  }
0xc8: {  	v7 =	vld [tilespmem:s7+$0x10]  }
0xc9: {  	v3 =	vld [tilespmem:s7+$0xFFFFFFE0]  }
0xca: {  	v1 =	vld [tilespmem:s25+$0xFFFFFFF0]  }
0xcb: {  	v4 =	vld [tilespmem:s7+$0xFFFFFFF0]  }
0xcc: {  	v2 =	vld [tilespmem:s25+$0x0]  }
0xcd: {  	s12 =	simm.s32 $0x4020;
	v5 =	vld [tilespmem:s7+$0x0];
	v7 =	vpack.i.f32.bf16 v7, v6  }
0xce: {  	s24 =	simm.s32 $0x1A060;
	s14 =	simm.s32 $0x0;
	v6 =	vld [tilespmem:s25+$0xFFFFFFE0];
	[tilespmem:s12+$0x10] =	vst v7  }
.LBB2_10:
0xcf: {  	v7 =	vld [tilespmem:s24+$0x10];
	s7 =	sadd.s32 $0x40, s7  }
0xd0: {  	s14 =	sadd.s32 $0x4, s14;
	v8 =	vld [tilespmem:s7+$0x10];
	v1 =	vpack.i.f32.bf16 v4, v1  }
0xd1: {  	p0 =	slt.u32 s14, $0xFC;
	v9 =	vld [tilespmem:s7+$0xFFFFFFE0];
	[tilespmem:s12+$0xFFFFFFF0] =	vst v1  }
.Ltmp6:
0xd2: {  	v1 =	vld [tilespmem:s24+$0xFFFFFFF0];
	v2 =	vpack.i.f32.bf16 v5, v2;
	(pc) =	sbr.rel @p0 .LBB2_10-.Ltmp6, $4  }
0xd3: {  	v4 =	vld [tilespmem:s7+$0xFFFFFFF0];
	v3 =	vpack.i.f32.bf16 v3, v6;
	[tilespmem:s12+$0x0] =	vst v2  }
0xd4: {  	v2 =	vld [tilespmem:s24+$0x0];
	[tilespmem:s12+$0xFFFFFFE0] =	vst v3  }
0xd5: {  	s12 =	sadd.s32 $0x40, s12;
	v5 =	vld [tilespmem:s7+$0x0];
	v7 =	vpack.i.f32.bf16 v8, v7  }
0xd6: {  	v6 =	vld [tilespmem:s24+$0xFFFFFFE0];
	[tilespmem:s12+$0x10] =	vst v7;
	s24 =	sadd.s32 $0x40, s24;
	v3 =	vmov v9  }
0xd7: {  	_ =	sdelay $0x1  }
0xd8: {  	v1 =	vpack.i.f32.bf16 v4, v1  }
0xd9: {  	[tilespmem:s12+$0xFFFFFFF0] =	vst v1;
	v1 =	vpack.i.f32.bf16 v5, v2  }
0xda: {  	v2 =	vpack.i.f32.bf16 v3, v6;
	[tilespmem:s12+$0x0] =	vst v1  }
0xdb: {  	s6 =	sadd.s32 $0x1000, s13;
	[tilespmem:s12+$0xFFFFFFE0] =	vst v2  }
0xdc: {  	[tilespmem:s23], [sflag:$0x3] =	stream.strided.gather [hbm4b:s6+s21], $0x1000, s22, s21, $0x38;
	[tilespmem:$0x1C000] =	vst v63  }
0xdd: {  	_ =	swait.ge [sflag:s26], $0x1000  }
0xde: {  	[sflag:s26] =	ssyncset.done $0x0  }
0xdf: {  	s14 =	sadd.s32 $0x1000, s16;
	[sflag:s26] =	ssyncadd.s32 $0xFFFFF000  }
0xe0: {  	[tilespmem:s28], [sflag:$0x3] =	stream.strided.gather [hbm4b:s14+s21], $0x1000, s22, s21, $0x38;
	[tilespmem:$0x1C000] =	vst v63  }
0xe1: {  	_ =	swait.ge [sflag:s26], $0x1000  }
0xe2: {  	[sflag:s26] =	ssyncset.done $0x0  }
0xe3: {  	s24 =	simm.s32 $0x1A020;
	[sflag:s26] =	ssyncadd.s32 $0xFFFFF000  }
0xe4: {  	s7 =	simm.s32 $0x1B020;
	v1 =	vld [tilespmem:s24+$0x10]  }
0xe5: {  	v2 =	vld [tilespmem:s7+$0x10]  }
0xe6: {  	v4 =	vld [tilespmem:s7+$0xFFFFFFE0]  }
0xe7: {  	v3 =	vld [tilespmem:s24+$0xFFFFFFF0]  }
0xe8: {  	v5 =	vld [tilespmem:s7+$0xFFFFFFF0]  }
0xe9: {  	v6 =	vld [tilespmem:s24+$0x0]  }
0xea: {  	v7 =	vld [tilespmem:s7+$0x0]  }
0xeb: {  	s25 =	simm.s32 $0x1A060;
	v8 =	vld [tilespmem:s24+$0xFFFFFFE0]  }
0xec: {  	v9 =	vld [tilespmem:s25+$0x10];
	s7 =	simm.s32 $0x1B060  }
0xed: {  	v10 =	vld [tilespmem:s7+$0x10]  }
0xee: {  	s14 =	simm.s32 $0x5030;
	v1 =	vpack.i.f32.bf16 v2, v1;
	v2 =	vld [tilespmem:s7+$0xFFFFFFE0]  }
0xef: {  	v3 =	vpack.i.f32.bf16 v5, v3;
	[tilespmem:s14+$0x0] =	vst v1;
	v1 =	vld [tilespmem:s25+$0xFFFFFFF0]  }
0xf0: {  	s12 =	simm.s32 $0x0;
	v5 =	vpack.i.f32.bf16 v7, v6;
	[tilespmem:s14+$0xFFFFFFE0] =	vst v3;
	v3 =	vld [tilespmem:s7+$0xFFFFFFF0]  }
0xf1: {  	s24 =	sand.u32 $0xFC0, s12;
	v6 =	vpack.i.f32.bf16 v4, v8;
	v4 =	vld [tilespmem:s25+$0x0];
	[tilespmem:s14+$0xFFFFFFF0] =	vst v5  }
0xf2: {  	[tilespmem:s24+$0x5000] =	vst v6;
	v5 =	vld [tilespmem:s7+$0x0];
	v7 =	vpack.i.f32.bf16 v10, v9;
	s14 =	simm.s32 $0x5070  }
0xf3: {  	s24 =	simm.s32 $0x4;
	v6 =	vld [tilespmem:s25+$0xFFFFFFE0];
	s25 =	simm.s32 $0x1A0A0;
	[tilespmem:s14+$0x0] =	vst v7  }
.LBB2_12:
0xf4: {  	v7 =	vld [tilespmem:s25+$0x10];
	s7 =	sadd.s32 $0x40, s7  }
0xf5: {  	s24 =	sadd.s32 $0x4, s24;
	v8 =	vld [tilespmem:s7+$0x10];
	v1 =	vpack.i.f32.bf16 v3, v1  }
0xf6: {  	p0 =	slt.u32 s24, $0xFC;
	v9 =	vld [tilespmem:s7+$0xFFFFFFE0];
	[tilespmem:s14+$0xFFFFFFE0] =	vst v1  }
.Ltmp7:
0xf7: {  	s12 =	sadd.s32 $0x40, s12;
	v1 =	vld [tilespmem:s25+$0xFFFFFFF0];
	v4 =	vpack.i.f32.bf16 v5, v4;
	(pc) =	sbr.rel @p0 .LBB2_12-.Ltmp7, $4  }
0xf8: {  	s6 =	sand.u32 $0xFC0, s12;
	v3 =	vld [tilespmem:s7+$0xFFFFFFF0];
	v2 =	vpack.i.f32.bf16 v2, v6;
	[tilespmem:s14+$0xFFFFFFF0] =	vst v4  }
0xf9: {  	v4 =	vld [tilespmem:s25+$0x0];
	[tilespmem:s6+$0x5000] =	vst v2  }
0xfa: {  	s14 =	sadd.s32 $0x40, s14;
	v5 =	vld [tilespmem:s7+$0x0];
	v7 =	vpack.i.f32.bf16 v8, v7  }
0xfb: {  	v6 =	vld [tilespmem:s25+$0xFFFFFFE0];
	[tilespmem:s14+$0x0] =	vst v7;
	s25 =	sadd.s32 $0x40, s25;
	v2 =	vmov v9  }
0xfc: {  	_ =	sdelay $0x1  }
0xfd: {  	v1 =	vpack.i.f32.bf16 v3, v1  }
0xfe: {  	s6 =	sadd.s32 $0x40, s12;
	[tilespmem:s14+$0xFFFFFFE0] =	vst v1;
	v1 =	vpack.i.f32.bf16 v5, v4  }
0xff: {  	s6 =	sand.u32 $0xFC0, s6;
	v2 =	vpack.i.f32.bf16 v2, v6;
	[tilespmem:s14+$0xFFFFFFF0] =	vst v1  }
0x100: {  	s14 =	sadd.s32 $0x2000, s13;
	[tilespmem:s6+$0x5000] =	vst v2  }
0x101: {  	[tilespmem:s23], [sflag:$0x3] =	stream.strided.gather [hbm4b:s14+s21], $0x1000, s22, s21, $0x38;
	[tilespmem:$0x1C000] =	vst v63  }
0x102: {  	_ =	swait.ge [sflag:s26], $0x1000  }
0x103: {  	[sflag:s26] =	ssyncset.done $0x0  }
0x104: {  	s24 =	sadd.s32 $0x2000, s16;
	[sflag:s26] =	ssyncadd.s32 $0xFFFFF000  }
0x105: {  	[tilespmem:s28], [sflag:$0x3] =	stream.strided.gather [hbm4b:s24+s21], $0x1000, s22, s21, $0x38;
	[tilespmem:$0x1C000] =	vst v63  }
0x106: {  	_ =	swait.ge [sflag:s26], $0x1000  }
0x107: {  	[sflag:s26] =	ssyncset.done $0x0  }
0x108: {  	s25 =	simm.s32 $0x1A020;
	[sflag:s26] =	ssyncadd.s32 $0xFFFFF000  }
0x109: {  	s7 =	simm.s32 $0x1B020;
	v1 =	vld [tilespmem:s25+$0x10]  }
0x10a: {  	v2 =	vld [tilespmem:s7+$0x10]  }
0x10b: {  	v4 =	vld [tilespmem:s7+$0xFFFFFFE0]  }
0x10c: {  	v3 =	vld [tilespmem:s25+$0xFFFFFFF0]  }
0x10d: {  	v5 =	vld [tilespmem:s7+$0xFFFFFFF0]  }
0x10e: {  	v6 =	vld [tilespmem:s25+$0x0]  }
0x10f: {  	v7 =	vld [tilespmem:s7+$0x0]  }
0x110: {  	s5 =	simm.s32 $0x1A060;
	v8 =	vld [tilespmem:s25+$0xFFFFFFE0]  }
0x111: {  	v9 =	vld [tilespmem:s5+$0x10];
	s7 =	simm.s32 $0x1B060  }
0x112: {  	v10 =	vld [tilespmem:s7+$0x10]  }
0x113: {  	s25 =	simm.s32 $0x6030;
	v1 =	vpack.i.f32.bf16 v2, v1;
	v2 =	vld [tilespmem:s7+$0xFFFFFFE0]  }
0x114: {  	v3 =	vpack.i.f32.bf16 v5, v3;
	[tilespmem:s25+$0x0] =	vst v1;
	v1 =	vld [tilespmem:s5+$0xFFFFFFF0]  }
0x115: {  	s12 =	simm.s32 $0x0;
	v5 =	vpack.i.f32.bf16 v7, v6;
	[tilespmem:s25+$0xFFFFFFE0] =	vst v3;
	v3 =	vld [tilespmem:s7+$0xFFFFFFF0]  }
0x116: {  	s24 =	sand.u32 $0xFC0, s12;
	v6 =	vpack.i.f32.bf16 v4, v8;
	v4 =	vld [tilespmem:s5+$0x0];
	[tilespmem:s25+$0xFFFFFFF0] =	vst v5  }
0x117: {  	s14 =	simm.s32 $0x6070;
	[tilespmem:s24+$0x6000] =	vst v6;
	v5 =	vld [tilespmem:s7+$0x0];
	v7 =	vpack.i.f32.bf16 v10, v9  }
0x118: {  	s24 =	simm.s32 $0x4;
	v6 =	vld [tilespmem:s5+$0xFFFFFFE0];
	s25 =	simm.s32 $0x1A0A0;
	[tilespmem:s14+$0x0] =	vst v7  }
.LBB2_14:
0x119: {  	v7 =	vld [tilespmem:s25+$0x10];
	s7 =	sadd.s32 $0x40, s7  }
0x11a: {  	s24 =	sadd.s32 $0x4, s24;
	v8 =	vld [tilespmem:s7+$0x10];
	v1 =	vpack.i.f32.bf16 v3, v1  }
0x11b: {  	p0 =	slt.u32 s24, $0xFC;
	v9 =	vld [tilespmem:s7+$0xFFFFFFE0];
	[tilespmem:s14+$0xFFFFFFE0] =	vst v1  }
.Ltmp8:
0x11c: {  	s12 =	sadd.s32 $0x40, s12;
	v1 =	vld [tilespmem:s25+$0xFFFFFFF0];
	v4 =	vpack.i.f32.bf16 v5, v4;
	(pc) =	sbr.rel @p0 .LBB2_14-.Ltmp8, $4  }
0x11d: {  	s6 =	sand.u32 $0xFC0, s12;
	v3 =	vld [tilespmem:s7+$0xFFFFFFF0];
	v2 =	vpack.i.f32.bf16 v2, v6;
	[tilespmem:s14+$0xFFFFFFF0] =	vst v4  }
0x11e: {  	v4 =	vld [tilespmem:s25+$0x0];
	[tilespmem:s6+$0x6000] =	vst v2  }
0x11f: {  	s14 =	sadd.s32 $0x40, s14;
	v5 =	vld [tilespmem:s7+$0x0];
	v7 =	vpack.i.f32.bf16 v8, v7  }
0x120: {  	v6 =	vld [tilespmem:s25+$0xFFFFFFE0];
	[tilespmem:s14+$0x0] =	vst v7;
	s25 =	sadd.s32 $0x40, s25;
	v2 =	vmov v9  }
0x121: {  	_ =	sdelay $0x1  }
0x122: {  	v1 =	vpack.i.f32.bf16 v3, v1  }
0x123: {  	s6 =	sadd.s32 $0x40, s12;
	[tilespmem:s14+$0xFFFFFFE0] =	vst v1;
	v1 =	vpack.i.f32.bf16 v5, v4  }
0x124: {  	s6 =	sand.u32 $0xFC0, s6;
	v2 =	vpack.i.f32.bf16 v2, v6;
	[tilespmem:s14+$0xFFFFFFF0] =	vst v1  }
0x125: {  	s14 =	sadd.s32 $0x3000, s13;
	[tilespmem:s6+$0x6000] =	vst v2  }
0x126: {  	[tilespmem:s23], [sflag:$0x3] =	stream.strided.gather [hbm4b:s14+s21], $0x1000, s22, s21, $0x38;
	[tilespmem:$0x1C000] =	vst v63  }
0x127: {  	_ =	swait.ge [sflag:s26], $0x1000  }
0x128: {  	[sflag:s26] =	ssyncset.done $0x0  }
0x129: {  	s24 =	sadd.s32 $0x3000, s16;
	[sflag:s26] =	ssyncadd.s32 $0xFFFFF000  }
0x12a: {  	[tilespmem:s28], [sflag:$0x3] =	stream.strided.gather [hbm4b:s24+s21], $0x1000, s22, s21, $0x38;
	[tilespmem:$0x1C000] =	vst v63  }
0x12b: {  	_ =	swait.ge [sflag:s26], $0x1000  }
0x12c: {  	[sflag:s26] =	ssyncset.done $0x0  }
0x12d: {  	s25 =	simm.s32 $0x1A020;
	[sflag:s26] =	ssyncadd.s32 $0xFFFFF000  }
0x12e: {  	s7 =	simm.s32 $0x1B020;
	v1 =	vld [tilespmem:s25+$0x10]  }
0x12f: {  	v2 =	vld [tilespmem:s7+$0x10]  }
0x130: {  	v4 =	vld [tilespmem:s7+$0xFFFFFFE0]  }
0x131: {  	v3 =	vld [tilespmem:s25+$0xFFFFFFF0]  }
0x132: {  	v5 =	vld [tilespmem:s7+$0xFFFFFFF0]  }
0x133: {  	v6 =	vld [tilespmem:s25+$0x0]  }
0x134: {  	v7 =	vld [tilespmem:s7+$0x0]  }
0x135: {  	s5 =	simm.s32 $0x1A060;
	v8 =	vld [tilespmem:s25+$0xFFFFFFE0]  }
0x136: {  	v9 =	vld [tilespmem:s5+$0x10];
	s7 =	simm.s32 $0x1B060  }
0x137: {  	v10 =	vld [tilespmem:s7+$0x10]  }
0x138: {  	s25 =	simm.s32 $0x7030;
	v1 =	vpack.i.f32.bf16 v2, v1;
	v2 =	vld [tilespmem:s7+$0xFFFFFFE0]  }
0x139: {  	v3 =	vpack.i.f32.bf16 v5, v3;
	[tilespmem:s25+$0x0] =	vst v1;
	v1 =	vld [tilespmem:s5+$0xFFFFFFF0]  }
0x13a: {  	s12 =	simm.s32 $0x0;
	v5 =	vpack.i.f32.bf16 v7, v6;
	[tilespmem:s25+$0xFFFFFFE0] =	vst v3;
	v3 =	vld [tilespmem:s7+$0xFFFFFFF0]  }
0x13b: {  	s24 =	sand.u32 $0xFC0, s12;
	v6 =	vpack.i.f32.bf16 v4, v8;
	v4 =	vld [tilespmem:s5+$0x0];
	[tilespmem:s25+$0xFFFFFFF0] =	vst v5  }
0x13c: {  	s14 =	simm.s32 $0x7070;
	[tilespmem:s24+$0x7000] =	vst v6;
	v5 =	vld [tilespmem:s7+$0x0];
	v7 =	vpack.i.f32.bf16 v10, v9  }
0x13d: {  	s24 =	simm.s32 $0x4;
	v6 =	vld [tilespmem:s5+$0xFFFFFFE0];
	s25 =	simm.s32 $0x1A0A0;
	[tilespmem:s14+$0x0] =	vst v7  }
.LBB2_16:
0x13e: {  	v7 =	vld [tilespmem:s25+$0x10];
	s7 =	sadd.s32 $0x40, s7  }
0x13f: {  	s24 =	sadd.s32 $0x4, s24;
	v8 =	vld [tilespmem:s7+$0x10];
	v1 =	vpack.i.f32.bf16 v3, v1  }
0x140: {  	p0 =	slt.u32 s24, $0xFC;
	v9 =	vld [tilespmem:s7+$0xFFFFFFE0];
	[tilespmem:s14+$0xFFFFFFE0] =	vst v1  }
.Ltmp9:
0x141: {  	s12 =	sadd.s32 $0x40, s12;
	v1 =	vld [tilespmem:s25+$0xFFFFFFF0];
	v4 =	vpack.i.f32.bf16 v5, v4;
	(pc) =	sbr.rel @p0 .LBB2_16-.Ltmp9, $4  }
0x142: {  	s6 =	sand.u32 $0xFC0, s12;
	v3 =	vld [tilespmem:s7+$0xFFFFFFF0];
	v2 =	vpack.i.f32.bf16 v2, v6;
	[tilespmem:s14+$0xFFFFFFF0] =	vst v4  }
0x143: {  	v4 =	vld [tilespmem:s25+$0x0];
	[tilespmem:s6+$0x7000] =	vst v2  }
0x144: {  	s14 =	sadd.s32 $0x40, s14;
	v5 =	vld [tilespmem:s7+$0x0];
	v7 =	vpack.i.f32.bf16 v8, v7  }
0x145: {  	v6 =	vld [tilespmem:s25+$0xFFFFFFE0];
	[tilespmem:s14+$0x0] =	vst v7;
	s25 =	sadd.s32 $0x40, s25;
	v2 =	vmov v9  }
0x146: {  	_ =	sdelay $0x1  }
0x147: {  	v1 =	vpack.i.f32.bf16 v3, v1  }
0x148: {  	s6 =	sadd.s32 $0x40, s12;
	[tilespmem:s14+$0xFFFFFFE0] =	vst v1;
	v1 =	vpack.i.f32.bf16 v5, v4  }
0x149: {  	s6 =	sand.u32 $0xFC0, s6;
	v2 =	vpack.i.f32.bf16 v2, v6;
	[tilespmem:s14+$0xFFFFFFF0] =	vst v1  }
0x14a: {  	s12 =	simm.s32 $0x40;
	s7 =	simm.s32 $0x0;
	[tilespmem:s6+$0x7000] =	vst v2  }
.LBB2_18:
0x14b: {  	p0 =	sne.s32 s12, $0xFFC0;
	[tilespmem:s7+$0x14000] =	vst v0;
	s6 =	smov.u32 s12;
	s12 =	sadd.s32 $0x40, s12  }
.Ltmp10:
0x14c: {  	[tilespmem:s7+$0x10000] =	vst v0;
	(pc) =	sbr.rel @p0 .LBB2_18-.Ltmp10, $3  }
0x14d: {  	[tilespmem:s7+$0x8000] =	vst v0  }
0x14e: {  	[tilespmem:s7+$0xC000] =	vst v0;
	_ =	sdelay $0x1  }
0x14f: {  	s7 =	sshra.s32 s6, $0x2  }
0x150: {  	[tilespmem:s7+$0x14000] =	vst v0  }
0x151: {  	[tilespmem:s7+$0x10000] =	vst v0  }
0x152: {  	[tilespmem:s7+$0x8000] =	vst v0  }
0x153: {  	[tilespmem:s7+$0xC000] =	vst v0  }
0x154: {  	s6 =	simm.s32 $0x18000;
	s5 =	rddreg [dreg:$0xc]  }
0x155: {  	[tilespmem:s6], [sflag:$0x1] =	stream.strided.gather [hbm4b:s5+s21], $0x800, s29, s21, $0x38;
	[tilespmem:$0x1C000] =	vst v63  }
0x156: {  	s14 =	simm.s32 $0x18800;
	s12 =	rddreg [dreg:$0xd]  }
0x157: {  	[tilespmem:s14], [sflag:$0x1] =	stream.strided.gather [hbm4b:s12+s21], $0x800, s29, s21, $0x38;
	[tilespmem:$0x1C000] =	vst v63  }
0x158: {  	s24 =	rddreg [dreg:$0xf]  }
0x159: {  	[tilespmem:s0], [sflag:$0x2] =	stream.strided.gather [hbm4b:s24+s21], $0x800, s29, s21, $0x38;
	[tilespmem:$0x1C000] =	vst v63  }
0x15a: {  	s25 =	rddreg [dreg:$0x10];
	s24 =	simm.s32 $0x0  }
0x15b: {  	[tilespmem:s2], [sflag:$0x2] =	stream.strided.gather [hbm4b:s25+s21], $0x800, s29, s21, $0x38;
	[tilespmem:$0x1C000] =	vst v63  }
.LBB2_20:
0x15c: {  	_ =	swait.ge [sflag:s30], $0x800  }
0x15d: {  	[sflag:s30] =	ssyncset.done $0x0  }
0x15e: {  	[sflag:s30] =	ssyncadd.s32 $0xFFFFF800  }
0x15f: {  	_ =	swait.ge [sflag:s30], $0x800  }
0x160: {  	[sflag:s30] =	ssyncset.done $0x0  }
0x161: {  	s6 =	simm.s32 $0x18020;
	[sflag:s30] =	ssyncadd.s32 $0xFFFFF800  }
0x162: {  	v1 =	vld [tilespmem:s6+$0x10]  }
0x163: {  	v3 =	vld [tilespmem:s6+$0xFFFFFFE0];
	_ =	sdelay $0x3  }
0x164: {  	v2 =	vld [tilespmem:s6+$0xFFFFFFF0];
	v5 =	vand.u32 $0x3FFF, v1  }
0x165: {  	v7 =	vand.u32 $0x3FFF, v3  }
0x166: {  	v4 =	vld [tilespmem:s6+$0x0]  }
0x167: {  	s14 =	simm.s32 $0x18820  }
0x168: {  	v10 =	vld [tilespmem:s14+$0x10]  }
0x169: {  	v6 =	vand.u32 $0x3FFF, v2;
	v9 =	vld.idx.msk [tilespmem:v5+s3+$0x0], $0xffff  }
0x16a: {  	v12 =	vld.idx.msk [tilespmem:v7+s3+$0x0], $0xffff  }
0x16b: {  	v14 =	vld [tilespmem:s14+$0xFFFFFFE0];
	v8 =	vand.u32 $0x3FFF, v4  }
0x16c: {  	v16 =	vld [tilespmem:s14+$0xFFFFFFF0];
	v13 =	vshrl.u32 v1, $0xE  }
0x16d: {  	v17 =	vld [tilespmem:s14+$0x0];
	v3 =	vshrl.u32 v3, $0xE  }
0x16e: {  	s25 =	simm.s32 $0x18060;
	v11 =	vld.idx.msk [tilespmem:v6+s3+$0x0], $0xffff;
	v1 =	vshll.u32 v9, $0x10  }
0x16f: {  	v55 =	vld [tilespmem:s25+$0x0];
	v18 =	vshll.u32 v12, $0x10;
	v1 =	vmul.f32 v1, v10  }
0x170: {  	v15 =	vld.idx.msk [tilespmem:v8+s3+$0x0], $0xffff;
	v9 =	vand.u32 $0xFFFF0000, v9;
	v18 =	vmul.f32 v18, v14  }
0x171: {  	v2 =	vshrl.u32 v2, $0xE;
	v9 =	vmul.f32 v9, v10;
	[tilespmem:v13+s31+$0x0] =	vst.idx.add.f32.msk $0xffff, v1  }
0x172: {  	v12 =	vand.u32 $0xFFFF0000, v12;
	[tilespmem:v3+s31+$0x0] =	vst.idx.add.f32.msk $0xffff, v18  }
0x173: {  	v1 =	vshrl.u32 v4, $0xE;
	v4 =	vshll.u32 v11, $0x10;
	[tilespmem:v13+s9+$0x0] =	vst.idx.add.f32.msk $0xffff, v9;
	v9 =	vmul.f32 v12, v14  }
0x174: {  	v11 =	vand.u32 $0xFFFF0000, v11;
	v4 =	vmul.f32 v4, v16;
	v5 =	vld.idx.msk [tilespmem:v5+s10+$0x0], $0xffff  }
0x175: {  	v11 =	vmul.f32 v11, v16;
	[tilespmem:v3+s9+$0x0] =	vst.idx.add.f32.msk $0xffff, v9  }
0x176: {  	v54 =	vshll.u32 v15, $0x10;
	[tilespmem:v2+s31+$0x0] =	vst.idx.add.f32.msk $0xffff, v4  }
0x177: {  	v12 =	vmul.f32 v54, v17;
	v9 =	vand.u32 $0xFFFF0000, v15;
	[tilespmem:v2+s9+$0x0] =	vst.idx.add.f32.msk $0xffff, v11  }
0x178: {  	v4 =	vmul.f32 v9, v17;
	v7 =	vld.idx.msk [tilespmem:v7+s10+$0x0], $0xffff  }
0x179: {  	[tilespmem:v1+s31+$0x0] =	vst.idx.add.f32.msk $0xffff, v12  }
0x17a: {  	[tilespmem:v1+s9+$0x0] =	vst.idx.add.f32.msk $0xffff, v4;
	v4 =	vshll.u32 v5, $0x10  }
0x17b: {  	v6 =	vld.idx.msk [tilespmem:v6+s10+$0x0], $0xffff;
	v4 =	vmul.f32 v4, v10  }
0x17c: {  	v11 =	vld [tilespmem:s25+$0xFFFFFFE0]  }
0x17d: {  	v5 =	vand.u32 $0xFFFF0000, v5;
	[tilespmem:v13+s11+$0x0] =	vst.idx.add.f32.msk $0xffff, v4  }
0x17e: {  	v4 =	vmul.f32 v5, v10;
	v5 =	vld [tilespmem:s25+$0x10]  }
0x17f: {  	v8 =	vld.idx.msk [tilespmem:v8+s10+$0x0], $0xffff  }
0x180: {  	v10 =	vld [tilespmem:s25+$0xFFFFFFF0];
	v9 =	vshll.u32 v6, $0x10;
	s25 =	simm.s32 $0x18860  }
0x181: {  	v58 =	vand.u32 $0x3FFF, v11;
	v9 =	vmul.f32 v9, v16;
	v60 =	vld [tilespmem:s25+$0x10]  }
0x182: {  	v6 =	vand.u32 $0xFFFF0000, v6;
	[tilespmem:v13+s17+$0x0] =	vst.idx.add.f32.msk $0xffff, v4  }
0x183: {  	v6 =	vmul.f32 v6, v16;
	[tilespmem:v2+s11+$0x0] =	vst.idx.add.f32.msk $0xffff, v9;
	v56 =	vand.u32 $0x3FFF, v5  }
0x184: {  	v4 =	vshll.u32 v7, $0x10;
	v9 =	vld [tilespmem:s25+$0xFFFFFFE0]  }
0x185: {  	v4 =	vmul.f32 v4, v14;
	[tilespmem:v2+s17+$0x0] =	vst.idx.add.f32.msk $0xffff, v6  }
0x186: {  	v7 =	vand.u32 $0xFFFF0000, v7;
	v19 =	vld.idx.msk [tilespmem:v58+s3+$0x0], $0xffff;
	v57 =	vand.u32 $0x3FFF, v10  }
0x187: {  	v7 =	vmul.f32 v7, v14;
	[tilespmem:v3+s11+$0x0] =	vst.idx.add.f32.msk $0xffff, v4  }
0x188: {  	v2 =	vld.idx.msk [tilespmem:v56+s3+$0x0], $0xffff  }
0x189: {  	v4 =	vand.u32 $0x3FFF, v55;
	[tilespmem:v3+s17+$0x0] =	vst.idx.add.f32.msk $0xffff, v7;
	v3 =	vshll.u32 v8, $0x10  }
0x18a: {  	v21 =	vshrl.u32 v5, $0xE;
	v5 =	vshrl.u32 v11, $0xE;
	v7 =	vld [tilespmem:s25+$0xFFFFFFF0];
	v3 =	vmul.f32 v3, v17  }
0x18b: {  	v59 =	vld.idx.msk [tilespmem:v57+s3+$0x0], $0xffff  }
0x18c: {  	[tilespmem:v1+s11+$0x0] =	vst.idx.add.f32.msk $0xffff, v3;
	v3 =	vshrl.u32 v10, $0xE;
	v10 =	vshll.u32 v19, $0x10  }
0x18d: {  	v6 =	vld [tilespmem:s25+$0x0];
	v10 =	vmul.f32 v10, v9;
	v22 =	vshll.u32 v2, $0x10  }
0x18e: {  	v20 =	vld.idx.msk [tilespmem:v4+s3+$0x0], $0xffff;
	v2 =	vand.u32 $0xFFFF0000, v2;
	v11 =	vmul.f32 v22, v60  }
0x18f: {  	[tilespmem:v5+s31+$0x0] =	vst.idx.add.f32.msk $0xffff, v10;
	v2 =	vmul.f32 v2, v60  }
0x190: {  	v61 =	vshll.u32 v59, $0x10;
	[tilespmem:v21+s31+$0x0] =	vst.idx.add.f32.msk $0xffff, v11  }
0x191: {  	v12 =	vmul.f32 v61, v7;
	v11 =	vand.u32 $0xFFFF0000, v19;
	[tilespmem:v21+s9+$0x0] =	vst.idx.add.f32.msk $0xffff, v2;
	v2 =	vshrl.u32 v55, $0xE  }
0x192: {  	v16 =	vand.u32 $0xFFFF0000, v59;
	v11 =	vmul.f32 v11, v9;
	v13 =	vld.idx.msk [tilespmem:v56+s10+$0x0], $0xffff  }
0x193: {  	v10 =	vshll.u32 v20, $0x10;
	v16 =	vmul.f32 v16, v7;
	[tilespmem:v3+s31+$0x0] =	vst.idx.add.f32.msk $0xffff, v12  }
0x194: {  	v10 =	vmul.f32 v10, v6;
	[tilespmem:v5+s9+$0x0] =	vst.idx.add.f32.msk $0xffff, v11;
	v11 =	vand.u32 $0xFFFF0000, v20  }
0x195: {  	[tilespmem:v3+s9+$0x0] =	vst.idx.add.f32.msk $0xffff, v16;
	v11 =	vmul.f32 v11, v6  }
0x196: {  	[tilespmem:v2+s31+$0x0] =	vst.idx.add.f32.msk $0xffff, v10  }
0x197: {  	[tilespmem:v2+s9+$0x0] =	vst.idx.add.f32.msk $0xffff, v11;
	v10 =	vshll.u32 v13, $0x10  }
0x198: {  	v11 =	vld.idx.msk [tilespmem:v58+s10+$0x0], $0xffff;
	v62 =	vand.u32 $0xFFFF0000, v13;
	v63 =	vmul.f32 v10, v60  }
0x199: {  	v10 =	vld.idx.msk [tilespmem:v57+s10+$0x0], $0xffff;
	v12 =	vmul.f32 v62, v60  }
0x19a: {  	v8 =	vand.u32 $0xFFFF0000, v8;
	[tilespmem:v21+s11+$0x0] =	vst.idx.add.f32.msk $0xffff, v63  }
0x19b: {  	s7 =	simm.s32 $0x4;
	s12 =	simm.s32 $0x180A0;
	v8 =	vmul.f32 v8, v17;
	[tilespmem:v21+s17+$0x0] =	vst.idx.add.f32.msk $0xffff, v12  }
.LBB2_21:
0x19c: {  	v12 =	vld [tilespmem:s12+$0x10]  }
0x19d: {  	v13 =	vld [tilespmem:s12+$0xFFFFFFF0]  }
0x19e: {  	s7 =	sadd.s32 $0x4, s7;
	v15 =	vshll.u32 v11, $0x10;
	v11 =	vand.u32 $0xFFFF0000, v11;
	v14 =	vld [tilespmem:s12+$0x0]  }
0x19f: {  	p0 =	slt.u32 s7, $0x7C;
	v15 =	vmul.f32 v15, v9;
	v17 =	vshll.u32 v10, $0x10;
	v10 =	vand.u32 $0xFFFF0000, v10;
	v16 =	vld [tilespmem:s12+$0xFFFFFFE0]  }
0x1a0: {  	v9 =	vmul.f32 v11, v9;
	v11 =	vmul.f32 v17, v7;
	v17 =	vld.idx.msk [tilespmem:v4+s10+$0x0], $0xffff  }
0x1a1: {  	v7 =	vmul.f32 v10, v7;
	v18 =	vand.u32 $0x3FFF, v12;
	[tilespmem:v5+s11+$0x0] =	vst.idx.add.f32.msk $0xffff, v15  }
0x1a2: {  	v10 =	vshrl.u32 v13, $0xE;
	v13 =	vand.u32 $0x3FFF, v13;
	[tilespmem:v5+s17+$0x0] =	vst.idx.add.f32.msk $0xffff, v9  }
0x1a3: {  	v9 =	vshrl.u32 v14, $0xE;
	v4 =	vand.u32 $0x3FFF, v14;
	[tilespmem:v3+s11+$0x0] =	vst.idx.add.f32.msk $0xffff, v11  }
0x1a4: {  	v5 =	vshrl.u32 v16, $0xE;
	v11 =	vand.u32 $0x3FFF, v16;
	[tilespmem:v3+s17+$0x0] =	vst.idx.add.f32.msk $0xffff, v7;
	v3 =	vmov v10  }
0x1a5: {  	[tilespmem:v1+s17+$0x0] =	vst.idx.add.f32.msk $0xffff, v8;
	v1 =	vmov v2;
	v2 =	vmov v9  }
0x1a6: {  	v7 =	vshll.u32 v17, $0x10;
	v8 =	vand.u32 $0xFFFF0000, v17;
	v10 =	vld.idx.msk [tilespmem:v18+s3+$0x0], $0xffff  }
0x1a7: {  	s25 =	sadd.s32 $0x40, s25;
	v15 =	vmul.f32 v7, v6;
	v8 =	vmul.f32 v8, v6;
	v14 =	vld.idx.msk [tilespmem:v13+s3+$0x0], $0xffff  }
0x1a8: {  	v16 =	vld [tilespmem:s25+$0x10]  }
0x1a9: {  	v17 =	vld.idx.msk [tilespmem:v11+s3+$0x0], $0xffff  }
0x1aa: {  	v12 =	vshrl.u32 v12, $0xE;
	v19 =	vld.idx.msk [tilespmem:v4+s3+$0x0], $0xffff  }
0x1ab: {  	v9 =	vld [tilespmem:s25+$0xFFFFFFE0]  }
0x1ac: {  	v20 =	vshll.u32 v10, $0x10;
	v7 =	vld [tilespmem:s25+$0xFFFFFFF0]  }
0x1ad: {  	v10 =	vand.u32 $0xFFFF0000, v10;
	v21 =	vshll.u32 v14, $0x10;
	v6 =	vld [tilespmem:s25+$0x0];
	v20 =	vmul.f32 v20, v16  }
0x1ae: {  	v14 =	vand.u32 $0xFFFF0000, v14;
	v10 =	vmul.f32 v10, v16;
	[tilespmem:v1+s11+$0x0] =	vst.idx.add.f32.msk $0xffff, v15  }
0x1af: {  	v15 =	vshll.u32 v17, $0x10;
	v17 =	vand.u32 $0xFFFF0000, v17;
	[tilespmem:v12+s31+$0x0] =	vst.idx.add.f32.msk $0xffff, v20  }
0x1b0: {  	v20 =	vshll.u32 v19, $0x10;
	v19 =	vand.u32 $0xFFFF0000, v19;
	v15 =	vmul.f32 v15, v9;
	[tilespmem:v12+s9+$0x0] =	vst.idx.add.f32.msk $0xffff, v10  }
0x1b1: {  	v10 =	vmul.f32 v17, v9;
	v17 =	vmul.f32 v21, v7;
	v18 =	vld.idx.msk [tilespmem:v18+s10+$0x0], $0xffff  }
0x1b2: {  	v14 =	vmul.f32 v14, v7;
	[tilespmem:v5+s31+$0x0] =	vst.idx.add.f32.msk $0xffff, v15;
	v15 =	vmul.f32 v20, v6  }
0x1b3: {  	[tilespmem:v5+s9+$0x0] =	vst.idx.add.f32.msk $0xffff, v10;
	v10 =	vmul.f32 v19, v6  }
0x1b4: {  	[tilespmem:v3+s31+$0x0] =	vst.idx.add.f32.msk $0xffff, v17  }
0x1b5: {  	[tilespmem:v3+s9+$0x0] =	vst.idx.add.f32.msk $0xffff, v14  }
0x1b6: {  	[tilespmem:v2+s31+$0x0] =	vst.idx.add.f32.msk $0xffff, v15  }
.Ltmp11:
0x1b7: {  	[tilespmem:v2+s9+$0x0] =	vst.idx.add.f32.msk $0xffff, v10;
	v10 =	vshll.u32 v18, $0x10;
	(pc) =	sbr.rel @p0 .LBB2_21-.Ltmp11, $4  }
0x1b8: {  	v14 =	vand.u32 $0xFFFF0000, v18;
	v11 =	vld.idx.msk [tilespmem:v11+s10+$0x0], $0xffff;
	v15 =	vmul.f32 v10, v16  }
0x1b9: {  	v10 =	vld.idx.msk [tilespmem:v13+s10+$0x0], $0xffff;
	v13 =	vmul.f32 v14, v16  }
0x1ba: {  	[tilespmem:v12+s11+$0x0] =	vst.idx.add.f32.msk $0xffff, v15  }
0x1bb: {  	s12 =	sadd.s32 $0x40, s12;
	[tilespmem:v12+s17+$0x0] =	vst.idx.add.f32.msk $0xffff, v13  }
0x1bc: {  	_ =	sdelay $0x3  }
0x1bd: {  	v4 =	vld.idx.msk [tilespmem:v4+s10+$0x0], $0xffff;
	v12 =	vshll.u32 v11, $0x10  }
0x1be: {  	v11 =	vand.u32 $0xFFFF0000, v11;
	v12 =	vmul.f32 v12, v9  }
0x1bf: {  	v13 =	vshll.u32 v10, $0x10;
	v9 =	vmul.f32 v11, v9  }
0x1c0: {  	v10 =	vand.u32 $0xFFFF0000, v10;
	v11 =	vmul.f32 v13, v7;
	[tilespmem:v5+s11+$0x0] =	vst.idx.add.f32.msk $0xffff, v12  }
0x1c1: {  	v7 =	vmul.f32 v10, v7;
	[tilespmem:v5+s17+$0x0] =	vst.idx.add.f32.msk $0xffff, v9  }
0x1c2: {  	[tilespmem:v3+s11+$0x0] =	vst.idx.add.f32.msk $0xffff, v11;
	v5 =	vshll.u32 v4, $0x10  }
0x1c3: {  	s25 =	sshll.u32 s24, $0xA;
	p0 =	seq.s32 s24, $0x20;
	[tilespmem:v3+s17+$0x0] =	vst.idx.add.f32.msk $0xffff, v7;
	v3 =	vand.u32 $0xFFFF0000, v4;
	v4 =	vmul.f32 v5, v6  }
0x1c4: {  	[tilespmem:v1+s17+$0x0] =	vst.idx.add.f32.msk $0xffff, v8;
	s6 =	sadd.s32 @!p0 $0x400, s25;
	v1 =	vmul.f32 v3, v6  }
0x1c5: {  	s12 =	simm.s32 @!p0 $0x80;
	s7 =	sadd.s32 @!p0 s1, s6;
	[tilespmem:v2+s11+$0x0] =	vst.idx.add.f32.msk $0xffff, v4  }
0x1c6: {  	s14 =	simm.s32 @!p0 $0x100;
	s5 =	simm.s32 @!p0 $0x18000;
	s7 =	sadd.s32 @!p0 s15, s7;
	[tilespmem:v2+s17+$0x0] =	vst.idx.add.f32.msk $0xffff, v1  }
0x1c7: {  	[tilespmem:s5], [sflag:$0x1] =	stream.strided.gather @!p0 [hbm4b:s7+s12], $0x800, s14, s12, $0x38;
	[tilespmem:$0x1C000] =	vst v63  }
0x1c8: {  	s5 =	sadd.s32 @!p0 s4, s6  }
0x1c9: {  	s6 =	simm.s32 @!p0 $0x18800;
	s5 =	sadd.s32 @!p0 s15, s5  }
0x1ca: {  	[tilespmem:s6], [sflag:$0x1] =	stream.strided.gather @!p0 [hbm4b:s5+s12], $0x800, s14, s12, $0x38;
	[tilespmem:$0x1C000] =	vst v63  }
0x1cb: {  	_ =	swait.ge [sflag:s18], $0x800  }
0x1cc: {  	[sflag:s18] =	ssyncset.done $0x0  }
0x1cd: {  	[sflag:s18] =	ssyncadd.s32 $0xFFFFF800  }
0x1ce: {  	_ =	swait.ge [sflag:s18], $0x800  }
0x1cf: {  	[sflag:s18] =	ssyncset.done $0x0  }
0x1d0: {  	s7 =	simm.s32 $0x19020;
	[sflag:s18] =	ssyncadd.s32 $0xFFFFF800  }
0x1d1: {  	v1 =	vld [tilespmem:s7+$0x10]  }
0x1d2: {  	v3 =	vld [tilespmem:s7+$0xFFFFFFE0];
	_ =	sdelay $0x3  }
0x1d3: {  	v2 =	vld [tilespmem:s7+$0xFFFFFFF0];
	v5 =	vand.u32 $0x3FFF, v1  }
0x1d4: {  	v7 =	vand.u32 $0x3FFF, v3  }
0x1d5: {  	v4 =	vld [tilespmem:s7+$0x0]  }
0x1d6: {  	s12 =	simm.s32 $0x19820  }
0x1d7: {  	v10 =	vld [tilespmem:s12+$0x10]  }
0x1d8: {  	v6 =	vand.u32 $0x3FFF, v2;
	v9 =	vld.idx.msk [tilespmem:v5+s3+$0x0], $0xffff  }
0x1d9: {  	v52 =	vld.idx.msk [tilespmem:v7+s3+$0x0], $0xffff  }
0x1da: {  	v14 =	vld [tilespmem:s12+$0xFFFFFFE0];
	v8 =	vand.u32 $0x3FFF, v4  }
0x1db: {  	v16 =	vld [tilespmem:s12+$0xFFFFFFF0];
	v53 =	vshrl.u32 v1, $0xE  }
0x1dc: {  	v17 =	vld [tilespmem:s12+$0x0];
	v3 =	vshrl.u32 v3, $0xE  }
0x1dd: {  	s7 =	simm.s32 $0x19860;
	v11 =	vld.idx.msk [tilespmem:v6+s3+$0x0], $0xffff;
	v1 =	vshll.u32 v9, $0x10  }
0x1de: {  	v61 =	vld [tilespmem:s7+$0x10];
	v18 =	vshll.u32 v52, $0x10;
	v1 =	vmul.f32 v1, v10  }
0x1df: {  	v15 =	vld.idx.msk [tilespmem:v8+s3+$0x0], $0xffff;
	v9 =	vand.u32 $0xFFFF0000, v9;
	v18 =	vmul.f32 v18, v14  }
0x1e0: {  	v2 =	vshrl.u32 v2, $0xE;
	v9 =	vmul.f32 v9, v10;
	[tilespmem:v53+s31+$0x0] =	vst.idx.add.f32.msk $0xffff, v1  }
0x1e1: {  	v12 =	vand.u32 $0xFFFF0000, v52;
	[tilespmem:v3+s31+$0x0] =	vst.idx.add.f32.msk $0xffff, v18  }
0x1e2: {  	v1 =	vshrl.u32 v4, $0xE;
	v4 =	vshll.u32 v11, $0x10;
	[tilespmem:v53+s9+$0x0] =	vst.idx.add.f32.msk $0xffff, v9;
	v9 =	vmul.f32 v12, v14  }
0x1e3: {  	v11 =	vand.u32 $0xFFFF0000, v11;
	v4 =	vmul.f32 v4, v16;
	v5 =	vld.idx.msk [tilespmem:v5+s10+$0x0], $0xffff  }
0x1e4: {  	v54 =	vshll.u32 v15, $0x10;
	v11 =	vmul.f32 v11, v16;
	[tilespmem:v3+s9+$0x0] =	vst.idx.add.f32.msk $0xffff, v9  }
0x1e5: {  	v12 =	vmul.f32 v54, v17;
	v9 =	vand.u32 $0xFFFF0000, v15;
	[tilespmem:v2+s31+$0x0] =	vst.idx.add.f32.msk $0xffff, v4  }
0x1e6: {  	v4 =	vmul.f32 v9, v17;
	[tilespmem:v2+s9+$0x0] =	vst.idx.add.f32.msk $0xffff, v11  }
0x1e7: {  	[tilespmem:v1+s31+$0x0] =	vst.idx.add.f32.msk $0xffff, v12  }
0x1e8: {  	[tilespmem:v1+s9+$0x0] =	vst.idx.add.f32.msk $0xffff, v4;
	v4 =	vshll.u32 v5, $0x10  }
0x1e9: {  	v7 =	vld.idx.msk [tilespmem:v7+s10+$0x0], $0xffff;
	v4 =	vmul.f32 v4, v10  }
0x1ea: {  	v6 =	vld.idx.msk [tilespmem:v6+s10+$0x0], $0xffff  }
0x1eb: {  	s14 =	simm.s32 $0x19060;
	v5 =	vand.u32 $0xFFFF0000, v5;
	[tilespmem:v53+s11+$0x0] =	vst.idx.add.f32.msk $0xffff, v4  }
0x1ec: {  	v4 =	vmul.f32 v5, v10;
	v5 =	vld [tilespmem:s14+$0x10]  }
0x1ed: {  	v9 =	vld [tilespmem:s14+$0xFFFFFFF0]  }
0x1ee: {  	v10 =	vld [tilespmem:s14+$0xFFFFFFE0]  }
0x1ef: {  	v11 =	vld [tilespmem:s14+$0x0];
	v55 =	vshll.u32 v6, $0x10  }
0x1f0: {  	v56 =	vld.idx.msk [tilespmem:v8+s10+$0x0], $0xffff;
	v8 =	vmul.f32 v55, v16  }
0x1f1: {  	v6 =	vand.u32 $0xFFFF0000, v6;
	[tilespmem:v53+s17+$0x0] =	vst.idx.add.f32.msk $0xffff, v4;
	v57 =	vand.u32 $0x3FFF, v5  }
0x1f2: {  	v6 =	vmul.f32 v6, v16;
	v4 =	vshll.u32 v7, $0x10;
	[tilespmem:v2+s11+$0x0] =	vst.idx.add.f32.msk $0xffff, v8  }
0x1f3: {  	v4 =	vmul.f32 v4, v14;
	v8 =	vld [tilespmem:s7+$0xFFFFFFE0];
	v59 =	vand.u32 $0x3FFF, v10  }
0x1f4: {  	v58 =	vand.u32 $0x3FFF, v9;
	v7 =	vand.u32 $0xFFFF0000, v7;
	[tilespmem:v2+s17+$0x0] =	vst.idx.add.f32.msk $0xffff, v6  }
0x1f5: {  	v7 =	vmul.f32 v7, v14;
	[tilespmem:v3+s11+$0x0] =	vst.idx.add.f32.msk $0xffff, v4  }
0x1f6: {  	v2 =	vld.idx.msk [tilespmem:v57+s3+$0x0], $0xffff  }
0x1f7: {  	[tilespmem:v3+s17+$0x0] =	vst.idx.add.f32.msk $0xffff, v7  }
0x1f8: {  	v4 =	vand.u32 $0x3FFF, v11;
	v3 =	vld.idx.msk [tilespmem:v59+s3+$0x0], $0xffff  }
0x1f9: {  	v60 =	vld.idx.msk [tilespmem:v58+s3+$0x0], $0xffff;
	v20 =	vshrl.u32 v5, $0xE;
	v5 =	vshll.u32 v56, $0x10  }
0x1fa: {  	v6 =	vld [tilespmem:s7+$0x0];
	v21 =	vmul.f32 v5, v17  }
0x1fb: {  	v7 =	vld [tilespmem:s7+$0xFFFFFFF0];
	v5 =	vshrl.u32 v10, $0xE;
	v22 =	vshll.u32 v2, $0x10  }
0x1fc: {  	[tilespmem:v1+s11+$0x0] =	vst.idx.add.f32.msk $0xffff, v21;
	v2 =	vand.u32 $0xFFFF0000, v2;
	v10 =	vmul.f32 v22, v61  }
0x1fd: {  	v19 =	vld.idx.msk [tilespmem:v4+s3+$0x0], $0xffff;
	v62 =	vmul.f32 v2, v61;
	v2 =	vshrl.u32 v9, $0xE;
	v9 =	vshll.u32 v3, $0x10  }
0x1fe: {  	v9 =	vmul.f32 v9, v8;
	[tilespmem:v20+s31+$0x0] =	vst.idx.add.f32.msk $0xffff, v10  }
0x1ff: {  	v10 =	vand.u32 $0xFFFF0000, v3;
	[tilespmem:v20+s9+$0x0] =	vst.idx.add.f32.msk $0xffff, v62  }
0x200: {  	v3 =	vshrl.u32 v11, $0xE;
	v11 =	vshll.u32 v60, $0x10;
	v10 =	vmul.f32 v10, v8;
	[tilespmem:v5+s31+$0x0] =	vst.idx.add.f32.msk $0xffff, v9  }
0x201: {  	v16 =	vand.u32 $0xFFFF0000, v60;
	v11 =	vmul.f32 v11, v7;
	v14 =	vld.idx.msk [tilespmem:v57+s10+$0x0], $0xffff  }
0x202: {  	v16 =	vmul.f32 v16, v7;
	[tilespmem:v5+s9+$0x0] =	vst.idx.add.f32.msk $0xffff, v10  }
0x203: {  	v9 =	vshll.u32 v19, $0x10;
	[tilespmem:v2+s31+$0x0] =	vst.idx.add.f32.msk $0xffff, v11  }
0x204: {  	v9 =	vmul.f32 v9, v6;
	v10 =	vand.u32 $0xFFFF0000, v19;
	[tilespmem:v2+s9+$0x0] =	vst.idx.add.f32.msk $0xffff, v16  }
0x205: {  	v10 =	vmul.f32 v10, v6;
	v11 =	vld.idx.msk [tilespmem:v59+s10+$0x0], $0xffff  }
0x206: {  	[tilespmem:v3+s31+$0x0] =	vst.idx.add.f32.msk $0xffff, v9;
	v9 =	vshll.u32 v14, $0x10  }
0x207: {  	[tilespmem:v3+s9+$0x0] =	vst.idx.add.f32.msk $0xffff, v10;
	v14 =	vand.u32 $0xFFFF0000, v14;
	v9 =	vmul.f32 v9, v61  }
0x208: {  	v10 =	vld.idx.msk [tilespmem:v58+s10+$0x0], $0xffff;
	v63 =	vmul.f32 v14, v61  }
0x209: {  	v13 =	vand.u32 $0xFFFF0000, v56;
	[tilespmem:v20+s11+$0x0] =	vst.idx.add.f32.msk $0xffff, v9  }
0x20a: {  	s12 =	simm.s32 $0x4;
	s14 =	simm.s32 $0x190A0;
	v9 =	vmul.f32 v13, v17;
	[tilespmem:v20+s17+$0x0] =	vst.idx.add.f32.msk $0xffff, v63  }
.LBB2_23:
0x20b: {  	v12 =	vld [tilespmem:s14+$0x10]  }
0x20c: {  	v13 =	vld [tilespmem:s14+$0xFFFFFFF0]  }
0x20d: {  	s12 =	sadd.s32 $0x4, s12;
	v15 =	vshll.u32 v11, $0x10;
	v11 =	vand.u32 $0xFFFF0000, v11;
	v14 =	vld [tilespmem:s14+$0x0]  }
0x20e: {  	p1 =	slt.u32 s12, $0x7C;
	v15 =	vmul.f32 v15, v8;
	v17 =	vshll.u32 v10, $0x10;
	v10 =	vand.u32 $0xFFFF0000, v10;
	v16 =	vld [tilespmem:s14+$0xFFFFFFE0]  }
0x20f: {  	v8 =	vmul.f32 v11, v8;
	v11 =	vmul.f32 v17, v7;
	v17 =	vld.idx.msk [tilespmem:v4+s10+$0x0], $0xffff  }
0x210: {  	v7 =	vmul.f32 v10, v7;
	v18 =	vand.u32 $0x3FFF, v12;
	[tilespmem:v5+s11+$0x0] =	vst.idx.add.f32.msk $0xffff, v15  }
0x211: {  	v10 =	vshrl.u32 v13, $0xE;
	v13 =	vand.u32 $0x3FFF, v13;
	[tilespmem:v5+s17+$0x0] =	vst.idx.add.f32.msk $0xffff, v8  }
0x212: {  	v8 =	vshrl.u32 v14, $0xE;
	v4 =	vand.u32 $0x3FFF, v14;
	[tilespmem:v2+s11+$0x0] =	vst.idx.add.f32.msk $0xffff, v11  }
0x213: {  	v5 =	vshrl.u32 v16, $0xE;
	v11 =	vand.u32 $0x3FFF, v16;
	[tilespmem:v2+s17+$0x0] =	vst.idx.add.f32.msk $0xffff, v7;
	v2 =	vmov v10  }
0x214: {  	[tilespmem:v1+s17+$0x0] =	vst.idx.add.f32.msk $0xffff, v9;
	v1 =	vmov v3;
	v3 =	vmov v8  }
0x215: {  	v7 =	vshll.u32 v17, $0x10;
	v8 =	vand.u32 $0xFFFF0000, v17;
	v10 =	vld.idx.msk [tilespmem:v18+s3+$0x0], $0xffff  }
0x216: {  	s7 =	sadd.s32 $0x40, s7;
	v15 =	vmul.f32 v7, v6;
	v9 =	vmul.f32 v8, v6;
	v14 =	vld.idx.msk [tilespmem:v13+s3+$0x0], $0xffff  }
0x217: {  	v16 =	vld [tilespmem:s7+$0x10]  }
0x218: {  	v17 =	vld.idx.msk [tilespmem:v11+s3+$0x0], $0xffff  }
0x219: {  	v12 =	vshrl.u32 v12, $0xE;
	v19 =	vld.idx.msk [tilespmem:v4+s3+$0x0], $0xffff  }
0x21a: {  	v8 =	vld [tilespmem:s7+$0xFFFFFFE0]  }
0x21b: {  	v20 =	vshll.u32 v10, $0x10;
	v7 =	vld [tilespmem:s7+$0xFFFFFFF0]  }
0x21c: {  	v10 =	vand.u32 $0xFFFF0000, v10;
	v21 =	vshll.u32 v14, $0x10;
	v6 =	vld [tilespmem:s7+$0x0];
	v20 =	vmul.f32 v20, v16  }
0x21d: {  	v14 =	vand.u32 $0xFFFF0000, v14;
	v10 =	vmul.f32 v10, v16;
	[tilespmem:v1+s11+$0x0] =	vst.idx.add.f32.msk $0xffff, v15  }
0x21e: {  	v15 =	vshll.u32 v17, $0x10;
	v17 =	vand.u32 $0xFFFF0000, v17;
	[tilespmem:v12+s31+$0x0] =	vst.idx.add.f32.msk $0xffff, v20  }
0x21f: {  	v20 =	vshll.u32 v19, $0x10;
	v19 =	vand.u32 $0xFFFF0000, v19;
	v15 =	vmul.f32 v15, v8;
	[tilespmem:v12+s9+$0x0] =	vst.idx.add.f32.msk $0xffff, v10  }
0x220: {  	v10 =	vmul.f32 v17, v8;
	v17 =	vmul.f32 v21, v7;
	v18 =	vld.idx.msk [tilespmem:v18+s10+$0x0], $0xffff  }
0x221: {  	v14 =	vmul.f32 v14, v7;
	[tilespmem:v5+s31+$0x0] =	vst.idx.add.f32.msk $0xffff, v15;
	v15 =	vmul.f32 v20, v6  }
0x222: {  	[tilespmem:v5+s9+$0x0] =	vst.idx.add.f32.msk $0xffff, v10;
	v10 =	vmul.f32 v19, v6  }
0x223: {  	[tilespmem:v2+s31+$0x0] =	vst.idx.add.f32.msk $0xffff, v17  }
0x224: {  	[tilespmem:v2+s9+$0x0] =	vst.idx.add.f32.msk $0xffff, v14  }
0x225: {  	[tilespmem:v3+s31+$0x0] =	vst.idx.add.f32.msk $0xffff, v15  }
.Ltmp12:
0x226: {  	[tilespmem:v3+s9+$0x0] =	vst.idx.add.f32.msk $0xffff, v10;
	v10 =	vshll.u32 v18, $0x10;
	(pc) =	sbr.rel @p1 .LBB2_23-.Ltmp12, $4  }
0x227: {  	v14 =	vand.u32 $0xFFFF0000, v18;
	v11 =	vld.idx.msk [tilespmem:v11+s10+$0x0], $0xffff;
	v15 =	vmul.f32 v10, v16  }
0x228: {  	v10 =	vld.idx.msk [tilespmem:v13+s10+$0x0], $0xffff;
	v13 =	vmul.f32 v14, v16  }
0x229: {  	[tilespmem:v12+s11+$0x0] =	vst.idx.add.f32.msk $0xffff, v15  }
0x22a: {  	s14 =	sadd.s32 $0x40, s14;
	[tilespmem:v12+s17+$0x0] =	vst.idx.add.f32.msk $0xffff, v13  }
0x22b: {  	_ =	sdelay $0x3  }
0x22c: {  	v4 =	vld.idx.msk [tilespmem:v4+s10+$0x0], $0xffff  }
0x22d: {  	v12 =	vshll.u32 v11, $0x10  }
0x22e: {  	v12 =	vmul.f32 v12, v8;
	v13 =	vshll.u32 v10, $0x10  }
0x22f: {  	[tilespmem:v1+s17+$0x0] =	vst.idx.add.f32.msk $0xffff, v9;
	v59 =	vand.u32 $0xFFFF0000, v10;
	v60 =	vmul.f32 v13, v7  }
0x230: {  	v57 =	vand.u32 $0xFFFF0000, v11;
	v61 =	vmul.f32 v59, v7;
	[tilespmem:v5+s11+$0x0] =	vst.idx.add.f32.msk $0xffff, v12  }
.Ltmp13:
0x231: {  	v58 =	vmul.f32 v57, v8;
	[tilespmem:v2+s11+$0x0] =	vst.idx.add.f32.msk $0xffff, v60;
	v62 =	vshll.u32 v4, $0x10;
	(pc) =	sbr.rel @p0 .LBB2_26-.Ltmp13, $4  }
0x232: {  	[tilespmem:v2+s17+$0x0] =	vst.idx.add.f32.msk $0xffff, v61;
	v2 =	vand.u32 $0xFFFF0000, v4;
	v63 =	vmul.f32 v62, v6  }
0x233: {  	[tilespmem:v5+s17+$0x0] =	vst.idx.add.f32.msk $0xffff, v58;
	v1 =	vmul.f32 v2, v6  }
0x234: {  	[tilespmem:v3+s11+$0x0] =	vst.idx.add.f32.msk $0xffff, v63  }
0x235: {  	[tilespmem:v3+s17+$0x0] =	vst.idx.add.f32.msk $0xffff, v1  }
0x236: {  	s5 =	sadd.s32 $0x600, s25  }
.Ltmp14:
0x237: {  	s6 =	sadd.s32 s1, s5;
	(pc) =	sbr.rel .LBB2_20-.Ltmp14, $4  }
0x238: {  	s5 =	sadd.s32 s4, s5;
	s6 =	sadd.s32 s15, s6  }
0x239: {  	[tilespmem:s0], [sflag:$0x2] =	stream.strided.gather [hbm4b:s6+s21], $0x800, s29, s21, $0x38;
	[tilespmem:$0x1C000] =	vst v63  }
0x23a: {  	s24 =	sadd.s32 $0x1, s24;
	s5 =	sadd.s32 s15, s5  }
0x23b: {  	[tilespmem:s2], [sflag:$0x2] =	stream.strided.gather [hbm4b:s5+s21], $0x800, s29, s21, $0x38;
	[tilespmem:$0x1C000] =	vst v63  }
.LBB2_27:
0x23c: {  	_ =	sfence.sel $0x180000  }
0x23d: {  	[bflag:$0x0] =	sbarrier.arrive $0xFFFF  }
0x23e: {  	_ =	strace $0x90000047  }
0x23f: {  	s0 =	stileid.u32;
	[bflag:$0x2] =	sbarrier.arrive $0xFFFF  }
0x240: {  	p0 =	sne.s32 s0, $0x0;
	s0 =	rddreg [dreg:$0x3]  }
0x241: {  	s0 =	sadd.s32 @!p0 $0x100000, s0  }
0x242: {  	[sflag:s0] =	ssyncadd.tile.s32 @!p0 $0x1;
	_ =	shalt  }
.Lfunc_end2:
_tile_overlayer_lowered:
.L_overlay_start_2:
0x243: {  	(tag) =	ssettag $0x2  }
0x244: {  	s0 =	rddreg [dreg:$0x0];
	s2 =	stileid.u32  }
0x245: {  	s1 =	rddreg [dreg:$0x1];
	p0 =	sne.s32 s2, $0x0  }
0x246: {  	s3 =	rddreg [dreg:$0x2];
	[bflag:$0x3] =	sbarrier.arrive $0xFFFF;
	s2 =	simm.s32 @!p0 $0x1C03  }
0x247: {  	[timem:s3], [sflag:s2] =	dma.local @!p0 [hbm:s0], s1  }
0x248: {  	s0 =	simm.s32 @!p0 $0x3  }
0x249: {  	_ =	swait.ge @!p0 [sflag:s0], s1  }
0x24a: {  	s1 =	ssub.s32 @!p0 $0x0, s1;
	[sflag:s0] =	ssyncset.done @!p0 $0x0  }
0x24b: {  	[sflag:s0] =	ssyncadd.s32 @!p0 s1  }
0x24c: {  	[bflag:$0x3] =	sbarrier.arrive $0xFFFF  }
0x24d: {  	_ =	shalt  }

</sc_bundles>
